<compile_context>
chip_gen: v7x
topology: tpu7x:2x2x1
jax: 0.10.2.dev20260603
libtpu: 0.0.44.dev20260713+nightly
codegen_flags: <defaults>
</compile_context>

<pallas_src>
import functools

import jax
import jax.numpy as jnp
from jax import lax
from jax.experimental import pallas as pl
from jax.experimental.pallas import tpu as pltpu
from jax.experimental.pallas import tpu_sc as plsc

LATENT_DIM = 256
CODEBOOK_SIZE = 8192
N_TOKENS = 8192
TN = 1024
TK = 2048
N_TILES = N_TOKENS // TN
K_TILES = CODEBOOK_SIZE // TK


_NCHUNK = TK // 128
_RB = 64


def _argmin_kernel(x_ref, w_ref, xsq_ref, wsq_ref, idx_ref, minv_ref,
                   bv_ref, bc_ref):
    j = pl.program_id(1)
    s2 = jax.lax.dot_general(
        x_ref[...] * -2.0, w_ref[...],
        (((1,), (0,)), ((), ())),
        preferred_element_type=jnp.float32,
    )
    xb = jnp.broadcast_to(xsq_ref[...], (TN, 128))
    wsq = wsq_ref[...]

    def _dchunk(k):
        return (xb + s2[:, k * 128:(k + 1) * 128]) + jnp.broadcast_to(
            wsq[:, k * 128:(k + 1) * 128], (TN, 128))

    def _tourney(bv, bc, ks):
        leaves = [(_dchunk(k),
                   jnp.full((TN, 128), j * _NCHUNK + k, jnp.int32))
                  for k in ks]
        while len(leaves) > 1:
            nxt = []
            for a in range(0, len(leaves) - 1, 2):
                va, ca = leaves[a]
                vb, cb = leaves[a + 1]
                better = vb < va
                nxt.append((jnp.where(better, vb, va),
                            jnp.where(better, cb, ca)))
            if len(leaves) % 2:
                nxt.append(leaves[-1])
            leaves = nxt
        dv, dc = leaves[0]
        better = dv < bv
        return jnp.where(better, dv, bv), jnp.where(better, dc, bc)

    @pl.when(j == 0)
    def _seed():
        bv, bc = _tourney(_dchunk(0), jnp.zeros((TN, 128), jnp.int32),
                          range(1, _NCHUNK))
        bv_ref[...] = bv
        bc_ref[...] = bc

    @pl.when(j > 0)
    def _update():
        bv, bc = _tourney(bv_ref[...], bc_ref[...], range(_NCHUNK))
        bv_ref[...] = bv
        bc_ref[...] = bc

    @pl.when(j == K_TILES - 1)
    def _finalize():
        bv = bv_ref[...]
        gidx = bc_ref[...] * 128 + jax.lax.broadcasted_iota(
            jnp.int32, (TN, 128), 1)
        lm = jnp.min(bv, axis=1)
        li = jnp.min(jnp.where(bv == lm[:, None], gidx, jnp.int32(2**30)),
                     axis=1)
        minv_ref[0, 0, :] = lm
        idx_ref[0, 0, :] = li


def _distance_argmin(flat, codebook, xsq, wsq):
    n_tiles = flat.shape[0] // TN
    idx3, minv3 = pl.pallas_call(
        _argmin_kernel,
        grid=(n_tiles, K_TILES),
        in_specs=[
            pl.BlockSpec((TN, LATENT_DIM), lambda i, j: (i, 0)),
            pl.BlockSpec((LATENT_DIM, TK), lambda i, j: (0, j)),
            pl.BlockSpec((TN, 1), lambda i, j: (i, 0)),
            pl.BlockSpec((1, TK), lambda i, j: (0, j)),
        ],
        out_specs=[
            pl.BlockSpec((1, 1, TN), lambda i, j: (i, 0, 0)),
            pl.BlockSpec((1, 1, TN), lambda i, j: (i, 0, 0)),
        ],
        out_shape=[
            jax.ShapeDtypeStruct((n_tiles, 1, TN), jnp.int32),
            jax.ShapeDtypeStruct((n_tiles, 1, TN), jnp.float32),
        ],
        scratch_shapes=[
            pltpu.VMEM((TN, 128), jnp.float32),
            pltpu.VMEM((TN, 128), jnp.int32),
        ],
        compiler_params=pltpu.CompilerParams(
            dimension_semantics=("parallel", "arbitrary"),
        ),
    )(flat, codebook, xsq, wsq)
    return idx3.reshape(-1), minv3.reshape(-1)


_NC, _NS = 2, 16
_NW = _NC * _NS
_HCHUNK = CODEBOOK_SIZE // _NS

@functools.lru_cache(maxsize=None)
def _make_sc_tail(n_tok):
    chunk = n_tok // _NW
    grows = chunk // 128
    idx_rows = n_tok // 128
    hrows = idx_rows // _NS
    lchunk = n_tok // _NS

    def _sc_tail(table_hbm, idx2_hbm, minv_hbm,
                 quant_hbm, counts_hbm, loss_hbm,
                 idx_g, idx_h, rows_v, ones_v, cnt_v, minv_v, acc_v,
                 counts_sh, sem):
        cid = lax.axis_index("c")
        sid = lax.axis_index("s")
        wid = sid * _NC + cid
        base = wid * chunk
        zero16 = jnp.zeros((16,), jnp.float32)
        ones16 = jnp.ones((16,), jnp.float32)

        pltpu.sync_copy(idx2_hbm.at[pl.ds(wid * grows, grows)], idx_g)
        for c in range(grows):
            pltpu.async_copy(table_hbm.at[idx_g.at[c]], rows_v, sem).wait()
            pltpu.sync_copy(rows_v, quant_hbm.at[pl.ds(base + c * 128, 128)])

        @pl.when(cid == 0)
        def _zero_counts():
            for i in range(_HCHUNK // 16):
                cnt_v[pl.ds(i * 16, 16)] = zero16
            pltpu.sync_copy(cnt_v, counts_sh.at[pl.ds(sid * _HCHUNK, _HCHUNK)])

        plsc.subcore_barrier()

        @pl.when(cid == 0)
        def _scatter_add():
            for i in range(128 // 16):
                ones_v[pl.ds(i * 16, 16)] = ones16
            pltpu.sync_copy(idx2_hbm.at[pl.ds(sid * hrows, hrows)], idx_h)
            for j in range(hrows):
                pltpu.sync_copy(ones_v, counts_sh.at[idx_h.at[j]], add=True)

        plsc.subcore_barrier()

        @pl.when(cid == 0)
        def _emit_counts():
            pltpu.sync_copy(counts_sh.at[pl.ds(sid * _HCHUNK, _HCHUNK)], cnt_v)
            pltpu.sync_copy(cnt_v, counts_hbm.at[pl.ds(sid * _HCHUNK, _HCHUNK)])

        @pl.when(cid == 0)
        def _loss_partial():
            pltpu.sync_copy(minv_hbm.at[pl.ds(sid * lchunk, lchunk)], minv_v)
            acc = zero16
            for i in range(lchunk // 16):
                acc = acc + minv_v[pl.ds(i * 16, 16)]
            acc_v[...] = acc
            pltpu.sync_copy(acc_v, loss_hbm.at[sid])

    mesh = plsc.VectorSubcoreMesh(core_axis_name="c", subcore_axis_name="s")
    return pl.kernel(
        _sc_tail,
        out_type=[
            jax.ShapeDtypeStruct((n_tok, LATENT_DIM), jnp.float32),
            jax.ShapeDtypeStruct((CODEBOOK_SIZE,), jnp.float32),
            jax.ShapeDtypeStruct((_NS, 16), jnp.float32),
        ],
        mesh=mesh,
        scratch_types=[
            pltpu.VMEM((grows, 128), jnp.int32),
            pltpu.VMEM((hrows, 128), jnp.int32),
            pltpu.VMEM((128, LATENT_DIM), jnp.float32),
            pltpu.VMEM((128,), jnp.float32),
            pltpu.VMEM((_HCHUNK,), jnp.float32),
            pltpu.VMEM((lchunk,), jnp.float32),
            pltpu.VMEM((16,), jnp.float32),
            pltpu.VMEM_SHARED((CODEBOOK_SIZE,), jnp.float32),
            pltpu.SemaphoreType.DMA,
        ],
    )


def kernel(z, codebook):
    commitment_cost = 1.0
    flat = jnp.reshape(z, (-1, LATENT_DIM))
    xsq = jnp.sum(flat ** 2, axis=-1)
    wsq = jnp.sum(codebook ** 2, axis=0)
    indices, minv = _distance_argmin(
        flat, codebook,
        xsq.reshape(N_TOKENS, 1), wsq.reshape(1, CODEBOOK_SIZE))
    table = codebook.T
    quantised, code_counts, loss_parts = _make_sc_tail(N_TOKENS)(
        table, indices.reshape(N_TOKENS // 128, 128), minv)
    avg_probs = code_counts * (1.0 / N_TOKENS)
    commitment_loss = commitment_cost * (
        jnp.sum(loss_parts) * (1.0 / (N_TOKENS * LATENT_DIM)))
    return (quantised, commitment_loss, avg_probs, indices)

# --- scband reference (transcript-rebuilt; emitter-appended) ---
"""Pipeline reference for scband-vq-ema-91087666413894 (READ-ONLY COPY).

The authoritative reference and input builder live on the scoring server;
editing this copy changes nothing except your own understanding.
"""

import jax, jax.numpy as jnp
import numpy as np

LATENT_DIM = 256
CODEBOOK_SIZE = 8192


def setup_inputs(seed: int = 0) -> dict:
    key = jax.random.key(seed)
    k1, k2 = jax.random.split(key)
    z = jax.random.normal(k1, (8, 1024, LATENT_DIM), dtype=jnp.float32)
    # codebook init matches tf.random.uniform(embedding_shape, -max_val, max_val)
    input_size = LATENT_DIM  # np.product(embedding_shape[:-1])
    max_val = float(np.sqrt(3.0 / input_size))
    codebook = jax.random.uniform(k2, (LATENT_DIM, CODEBOOK_SIZE), minval=-max_val, maxval=max_val, dtype=jnp.float32)
    return {"z": z, "codebook": codebook}


def reference(z, codebook):
    commitment_cost = 1.0
    flattened_inputs = jnp.reshape(z, (-1, LATENT_DIM))
    # squared L2 distance to every code: ||x||^2 - 2 x.W + ||w||^2
    d = (jnp.sum(flattened_inputs ** 2, axis=-1)[:, None]
         - 2.0 * jnp.matmul(flattened_inputs, codebook)
         + jnp.sum(codebook ** 2, axis=0)[None, :])
    indices = jnp.argmax(-d, axis=-1)
    encodings = jax.nn.one_hot(indices, CODEBOOK_SIZE, dtype=flattened_inputs.dtype)
    # quantise: gather rows of codebook.T by indices
    quantised = jnp.take(jnp.transpose(codebook), indices, axis=0)
    e_latent_loss = jnp.mean((jax.lax.stop_gradient(quantised) - flattened_inputs) ** 2)
    commitment_loss = commitment_cost * e_latent_loss
    # straight-through estimator
    quantised_st = flattened_inputs + jax.lax.stop_gradient(quantised - flattened_inputs)
    avg_probs = jnp.mean(encodings, axis=0)
    return (quantised_st, commitment_loss, avg_probs, indices)

if __name__ == "__main__":
    import jax
    _d = setup_inputs()
    print(jax.jit(kernel)(*tuple(_d.values())))

</pallas_src>

<mosaic_0001>
#map = affine_map<(d0, d1) -> (0, 0)>
#map1 = affine_map<(d0, d1) -> (0)>
module attributes {stable_mosaic.version = 14 : i64} {
  func.func @_sc_tail(%arg0: i32, %arg1: i32, %arg2: memref<8192x256xf32, #tpu.memory_space<hbm>>, %arg3: memref<64x128xi32, #tpu.memory_space<hbm>>, %arg4: memref<8192xf32, #tpu.memory_space<hbm>>, %arg5: memref<8192x256xf32, #tpu.memory_space<hbm>>, %arg6: memref<8192xf32, #tpu.memory_space<hbm>>, %arg7: memref<16x16xf32, #tpu.memory_space<hbm>>, %arg8: memref<2x128xi32, #tpu.memory_space<vmem>>, %arg9: memref<4x128xi32, #tpu.memory_space<vmem>>, %arg10: memref<128x256xf32, #tpu.memory_space<vmem>>, %arg11: memref<128xf32, #tpu.memory_space<vmem>>, %arg12: memref<512xf32, #tpu.memory_space<vmem>>, %arg13: memref<512xf32, #tpu.memory_space<vmem>>, %arg14: memref<16xf32, #tpu.memory_space<vmem>>, %arg15: memref<8192xf32, #tpu.memory_space<vmem_shared>>, %arg16: memref<!tpu.dma_semaphore, #tpu.memory_space<semaphore_mem>>) attributes {dimension_semantics = [#tpu.dimension_semantics<core_parallel>, #tpu.dimension_semantics<subcore_parallel>], iteration_bounds = array<i64: 2, 16>, scalar_prefetch = 0 : i64, scratch_operands = 9 : i64, tpu.core_type = #tpu.core_type<sc_vector_subcore>, window_params = [{transform_indices = #map}, {transform_indices = #map}, {transform_indices = #map1}, {transform_indices = #map}, {transform_indices = #map1}, {transform_indices = #map}]} {
    %mul3A = arith.constant 2 : i32
    %mul3A_0 = arith.muli %arg1, %mul3A : i32
    %add3A = arith.addi %mul3A_0, %arg0 : i32
    %mul3A_1 = arith.constant 256 : i32
    %mul3A_2 = arith.muli %add3A, %mul3A_1 : i32
    %broadcast_in_dim3A = arith.constant 0.000000e+00 : f32
    %broadcast_in_dim3A_3 = vector.broadcast %broadcast_in_dim3A : f32 to vector<16xf32>
    %broadcast_in_dim3A_4 = arith.constant 1.000000e+00 : f32
    %broadcast_in_dim3A_5 = vector.broadcast %broadcast_in_dim3A_4 : f32 to vector<16xf32>
    %mul3A_6 = arith.constant 2 : i32
    %mul3A_7 = arith.muli %add3A, %mul3A_6 : i32
    "tpu.region"() ({
      %run_scoped3A = tpu.sem_alloc : memref<!tpu.dma_semaphore, #tpu.memory_space<semaphore_mem>>
      %dma_start3A_56 = arith.constant 0 : i32
      %dma_start3A_57 = tpu.memref_slice %arg3[%mul3A_7, %dma_start3A_56] : memref<64x128xi32, #tpu.memory_space<hbm>> -> memref<2x128xi32, #tpu.memory_space<hbm>>
      %dma_start3A_58 = arith.constant 0 : i32
      %dma_start3A_59 = tpu.memref_slice %arg3[%mul3A_7, %dma_start3A_58] : memref<64x128xi32, #tpu.memory_space<hbm>> -> memref<2x128xi32, #tpu.memory_space<hbm>>
      tpu.enqueue_dma source(%dma_start3A_59 : memref<2x128xi32, #tpu.memory_space<hbm>>) target(%arg8 : memref<2x128xi32, #tpu.memory_space<vmem>>) target_semaphore(%run_scoped3A : memref<!tpu.dma_semaphore, #tpu.memory_space<semaphore_mem>>)
      %dma_wait3A_60 = arith.constant 0 : i32
      %dma_wait3A_61 = tpu.memref_slice %arg3[%mul3A_7, %dma_wait3A_60] : memref<64x128xi32, #tpu.memory_space<hbm>> -> memref<2x128xi32, #tpu.memory_space<hbm>>
      %dma_wait3A_62 = arith.constant 0 : i32
      %dma_wait3A_63 = tpu.memref_slice %arg3[%mul3A_7, %dma_wait3A_62] : memref<64x128xi32, #tpu.memory_space<hbm>> -> memref<2x128xi32, #tpu.memory_space<hbm>>
      tpu.wait_dma2 semaphore(%run_scoped3A : memref<!tpu.dma_semaphore, #tpu.memory_space<semaphore_mem>>) src(%dma_wait3A_63 : memref<2x128xi32, #tpu.memory_space<hbm>>) dst(%arg8 : memref<2x128xi32, #tpu.memory_space<vmem>>)
      tpu.yield
    }) : () -> ()
    %dma_start3A = arith.constant 0 : i32
    %dma_start3A_8 = arith.constant 0 : i32
    %dma_start3A_9 = tpu.memref_slice %arg8[%dma_start3A, %dma_start3A_8] : memref<2x128xi32, #tpu.memory_space<vmem>> -> memref<1x128xi32, #tpu.memory_space<vmem>>
    %dma_start3A_10 = tpu.memref_squeeze %dma_start3A_9 : memref<1x128xi32, #tpu.memory_space<vmem>> -> memref<128xi32, #tpu.memory_space<vmem>>
    %dma_start3A_11 = arith.constant 0 : i32
    %dma_start3A_12 = arith.constant 0 : i32
    %dma_start3A_13 = tpu.memref_slice %arg2[%dma_start3A_11, %dma_start3A_12] : memref<8192x256xf32, #tpu.memory_space<hbm>> -> memref<8192x256xf32, #tpu.memory_space<hbm>>
    tpu.enqueue_indirect_dma source(%dma_start3A_13 : memref<8192x256xf32, #tpu.memory_space<hbm>>) target(%arg10 : memref<128x256xf32, #tpu.memory_space<vmem>>) offsets(%dma_start3A_10 : memref<128xi32, #tpu.memory_space<vmem>>) semaphore(%arg16 : memref<!tpu.dma_semaphore, #tpu.memory_space<semaphore_mem>>)
    %dma_wait3A = arith.constant 0 : i32
    %dma_wait3A_14 = arith.constant 0 : i32
    %dma_wait3A_15 = tpu.memref_slice %arg8[%dma_wait3A, %dma_wait3A_14] : memref<2x128xi32, #tpu.memory_space<vmem>> -> memref<1x128xi32, #tpu.memory_space<vmem>>
    %dma_wait3A_16 = tpu.memref_squeeze %dma_wait3A_15 : memref<1x128xi32, #tpu.memory_space<vmem>> -> memref<128xi32, #tpu.memory_space<vmem>>
    %dma_wait3A_17 = arith.constant 0 : i32
    %dma_wait3A_18 = arith.constant 0 : i32
    %dma_wait3A_19 = tpu.memref_slice %arg2[%dma_wait3A_17, %dma_wait3A_18] : memref<8192x256xf32, #tpu.memory_space<hbm>> -> memref<8192x256xf32, #tpu.memory_space<hbm>>
    tpu.wait_indirect_dma semaphore(%arg16 : memref<!tpu.dma_semaphore, #tpu.memory_space<semaphore_mem>>) src(%dma_wait3A_19 : memref<8192x256xf32, #tpu.memory_space<hbm>>) dst(%arg10 : memref<128x256xf32, #tpu.memory_space<vmem>>)
    %add3A_20 = arith.constant 0 : i32
    %add3A_21 = arith.addi %mul3A_2, %add3A_20 : i32
    "tpu.region"() ({
      %run_scoped3A = tpu.sem_alloc : memref<!tpu.dma_semaphore, #tpu.memory_space<semaphore_mem>>
      %dma_start3A_56 = arith.constant 0 : i32
      %dma_start3A_57 = tpu.memref_slice %arg5[%add3A_21, %dma_start3A_56] : memref<8192x256xf32, #tpu.memory_space<hbm>> -> memref<128x256xf32, #tpu.memory_space<hbm>>
      %dma_start3A_58 = arith.constant 0 : i32
      %dma_start3A_59 = tpu.memref_slice %arg5[%add3A_21, %dma_start3A_58] : memref<8192x256xf32, #tpu.memory_space<hbm>> -> memref<128x256xf32, #tpu.memory_space<hbm>>
      tpu.enqueue_dma source(%arg10 : memref<128x256xf32, #tpu.memory_space<vmem>>) target(%dma_start3A_59 : memref<128x256xf32, #tpu.memory_space<hbm>>) target_semaphore(%run_scoped3A : memref<!tpu.dma_semaphore, #tpu.memory_space<semaphore_mem>>)
      %dma_wait3A_60 = arith.constant 0 : i32
      %dma_wait3A_61 = tpu.memref_slice %arg5[%add3A_21, %dma_wait3A_60] : memref<8192x256xf32, #tpu.memory_space<hbm>> -> memref<128x256xf32, #tpu.memory_space<hbm>>
      %dma_wait3A_62 = arith.constant 0 : i32
      %dma_wait3A_63 = tpu.memref_slice %arg5[%add3A_21, %dma_wait3A_62] : memref<8192x256xf32, #tpu.memory_space<hbm>> -> memref<128x256xf32, #tpu.memory_space<hbm>>
      tpu.wait_dma2 semaphore(%run_scoped3A : memref<!tpu.dma_semaphore, #tpu.memory_space<semaphore_mem>>) src(%arg10 : memref<128x256xf32, #tpu.memory_space<vmem>>) dst(%dma_wait3A_63 : memref<128x256xf32, #tpu.memory_space<hbm>>)
      tpu.yield
    }) : () -> ()
    %dma_start3A_22 = arith.constant 1 : i32
    %dma_start3A_23 = arith.constant 0 : i32
    %dma_start3A_24 = tpu.memref_slice %arg8[%dma_start3A_22, %dma_start3A_23] : memref<2x128xi32, #tpu.memory_space<vmem>> -> memref<1x128xi32, #tpu.memory_space<vmem>>
    %dma_start3A_25 = tpu.memref_squeeze %dma_start3A_24 : memref<1x128xi32, #tpu.memory_space<vmem>> -> memref<128xi32, #tpu.memory_space<vmem>>
    %dma_start3A_26 = arith.constant 0 : i32
    %dma_start3A_27 = arith.constant 0 : i32
    %dma_start3A_28 = tpu.memref_slice %arg2[%dma_start3A_26, %dma_start3A_27] : memref<8192x256xf32, #tpu.memory_space<hbm>> -> memref<8192x256xf32, #tpu.memory_space<hbm>>
    tpu.enqueue_indirect_dma source(%dma_start3A_28 : memref<8192x256xf32, #tpu.memory_space<hbm>>) target(%arg10 : memref<128x256xf32, #tpu.memory_space<vmem>>) offsets(%dma_start3A_25 : memref<128xi32, #tpu.memory_space<vmem>>) semaphore(%arg16 : memref<!tpu.dma_semaphore, #tpu.memory_space<semaphore_mem>>)
    %dma_wait3A_29 = arith.constant 1 : i32
    %dma_wait3A_30 = arith.constant 0 : i32
    %dma_wait3A_31 = tpu.memref_slice %arg8[%dma_wait3A_29, %dma_wait3A_30] : memref<2x128xi32, #tpu.memory_space<vmem>> -> memref<1x128xi32, #tpu.memory_space<vmem>>
    %dma_wait3A_32 = tpu.memref_squeeze %dma_wait3A_31 : memref<1x128xi32, #tpu.memory_space<vmem>> -> memref<128xi32, #tpu.memory_space<vmem>>
    %dma_wait3A_33 = arith.constant 0 : i32
    %dma_wait3A_34 = arith.constant 0 : i32
    %dma_wait3A_35 = tpu.memref_slice %arg2[%dma_wait3A_33, %dma_wait3A_34] : memref<8192x256xf32, #tpu.memory_space<hbm>> -> memref<8192x256xf32, #tpu.memory_space<hbm>>
    tpu.wait_indirect_dma semaphore(%arg16 : memref<!tpu.dma_semaphore, #tpu.memory_space<semaphore_mem>>) src(%dma_wait3A_35 : memref<8192x256xf32, #tpu.memory_space<hbm>>) dst(%arg10 : memref<128x256xf32, #tpu.memory_space<vmem>>)
    %add3A_36 = arith.constant 128 : i32
    %add3A_37 = arith.addi %mul3A_2, %add3A_36 : i32
    "tpu.region"() ({
      %run_scoped3A = tpu.sem_alloc : memref<!tpu.dma_semaphore, #tpu.memory_space<semaphore_mem>>
      %dma_start3A_56 = arith.constant 0 : i32
      %dma_start3A_57 = tpu.memref_slice %arg5[%add3A_37, %dma_start3A_56] : memref<8192x256xf32, #tpu.memory_space<hbm>> -> memref<128x256xf32, #tpu.memory_space<hbm>>
      %dma_start3A_58 = arith.constant 0 : i32
      %dma_start3A_59 = tpu.memref_slice %arg5[%add3A_37, %dma_start3A_58] : memref<8192x256xf32, #tpu.memory_space<hbm>> -> memref<128x256xf32, #tpu.memory_space<hbm>>
      tpu.enqueue_dma source(%arg10 : memref<128x256xf32, #tpu.memory_space<vmem>>) target(%dma_start3A_59 : memref<128x256xf32, #tpu.memory_space<hbm>>) target_semaphore(%run_scoped3A : memref<!tpu.dma_semaphore, #tpu.memory_space<semaphore_mem>>)
      %dma_wait3A_60 = arith.constant 0 : i32
      %dma_wait3A_61 = tpu.memref_slice %arg5[%add3A_37, %dma_wait3A_60] : memref<8192x256xf32, #tpu.memory_space<hbm>> -> memref<128x256xf32, #tpu.memory_space<hbm>>
      %dma_wait3A_62 = arith.constant 0 : i32
      %dma_wait3A_63 = tpu.memref_slice %arg5[%add3A_37, %dma_wait3A_62] : memref<8192x256xf32, #tpu.memory_space<hbm>> -> memref<128x256xf32, #tpu.memory_space<hbm>>
      tpu.wait_dma2 semaphore(%run_scoped3A : memref<!tpu.dma_semaphore, #tpu.memory_space<semaphore_mem>>) src(%arg10 : memref<128x256xf32, #tpu.memory_space<vmem>>) dst(%dma_wait3A_63 : memref<128x256xf32, #tpu.memory_space<hbm>>)
      tpu.yield
    }) : () -> ()
    %eq3A = arith.constant 0 : i32
    %eq3A_38 = arith.cmpi eq, %arg0, %eq3A : i32
    %convert_element_type3A = arith.extui %eq3A_38 : i1 to i32
    %cond3A = arith.constant 0 : i32
    %cond3A_39 = arith.cmpi ne, %convert_element_type3A, %cond3A : i32
    scf.if %cond3A_39 {
      %swap3A = arith.constant 0 : index
      %swap3A_56 = tpu.vector_load %arg12[%swap3A] {strides = array<i32>} : memref<512xf32, #tpu.memory_space<vmem>>, vector<16xf32>,
      %swap3A_57 = vector.shape_cast %swap3A_56 : vector<16xf32> to vector<16xf32>
      %swap3A_58 = vector.shape_cast %broadcast_in_dim3A_3 : vector<16xf32> to vector<16xf32>
      tpu.vector_store %arg12[%swap3A], %swap3A_58 {strides = array<i32>} : memref<512xf32, #tpu.memory_space<vmem>>, vector<16xf32>,
      %swap3A_59 = arith.constant 16 : index
      %swap3A_60 = tpu.vector_load %arg12[%swap3A_59] {strides = array<i32>} : memref<512xf32, #tpu.memory_space<vmem>>, vector<16xf32>,
      %swap3A_61 = vector.shape_cast %swap3A_60 : vector<16xf32> to vector<16xf32>
      %swap3A_62 = vector.shape_cast %broadcast_in_dim3A_3 : vector<16xf32> to vector<16xf32>
      tpu.vector_store %arg12[%swap3A_59], %swap3A_62 {strides = array<i32>} : memref<512xf32, #tpu.memory_space<vmem>>, vector<16xf32>,
      %swap3A_63 = arith.constant 32 : index
      %swap3A_64 = tpu.vector_load %arg12[%swap3A_63] {strides = array<i32>} : memref<512xf32, #tpu.memory_space<vmem>>, vector<16xf32>,
      %swap3A_65 = vector.shape_cast %swap3A_64 : vector<16xf32> to vector<16xf32>
      %swap3A_66 = vector.shape_cast %broadcast_in_dim3A_3 : vector<16xf32> to vector<16xf32>
      tpu.vector_store %arg12[%swap3A_63], %swap3A_66 {strides = array<i32>} : memref<512xf32, #tpu.memory_space<vmem>>, vector<16xf32>,
      %swap3A_67 = arith.constant 48 : index
      %swap3A_68 = tpu.vector_load %arg12[%swap3A_67] {strides = array<i32>} : memref<512xf32, #tpu.memory_space<vmem>>, vector<16xf32>,
      %swap3A_69 = vector.shape_cast %swap3A_68 : vector<16xf32> to vector<16xf32>
      %swap3A_70 = vector.shape_cast %broadcast_in_dim3A_3 : vector<16xf32> to vector<16xf32>
      tpu.vector_store %arg12[%swap3A_67], %swap3A_70 {strides = array<i32>} : memref<512xf32, #tpu.memory_space<vmem>>, vector<16xf32>,
      %swap3A_71 = arith.constant 64 : index
      %swap3A_72 = tpu.vector_load %arg12[%swap3A_71] {strides = array<i32>} : memref<512xf32, #tpu.memory_space<vmem>>, vector<16xf32>,
      %swap3A_73 = vector.shape_cast %swap3A_72 : vector<16xf32> to vector<16xf32>
      %swap3A_74 = vector.shape_cast %broadcast_in_dim3A_3 : vector<16xf32> to vector<16xf32>
      tpu.vector_store %arg12[%swap3A_71], %swap3A_74 {strides = array<i32>} : memref<512xf32, #tpu.memory_space<vmem>>, vector<16xf32>,
      %swap3A_75 = arith.constant 80 : index
      %swap3A_76 = tpu.vector_load %arg12[%swap3A_75] {strides = array<i32>} : memref<512xf32, #tpu.memory_space<vmem>>, vector<16xf32>,
      %swap3A_77 = vector.shape_cast %swap3A_76 : vector<16xf32> to vector<16xf32>
      %swap3A_78 = vector.shape_cast %broadcast_in_dim3A_3 : vector<16xf32> to vector<16xf32>
      tpu.vector_store %arg12[%swap3A_75], %swap3A_78 {strides = array<i32>} : memref<512xf32, #tpu.memory_space<vmem>>, vector<16xf32>,
      %swap3A_79 = arith.constant 96 : index
      %swap3A_80 = tpu.vector_load %arg12[%swap3A_79] {strides = array<i32>} : memref<512xf32, #tpu.memory_space<vmem>>, vector<16xf32>,
      %swap3A_81 = vector.shape_cast %swap3A_80 : vector<16xf32> to vector<16xf32>
      %swap3A_82 = vector.shape_cast %broadcast_in_dim3A_3 : vector<16xf32> to vector<16xf32>
      tpu.vector_store %arg12[%swap3A_79], %swap3A_82 {strides = array<i32>} : memref<512xf32, #tpu.memory_space<vmem>>, vector<16xf32>,
      %swap3A_83 = arith.constant 112 : index
      %swap3A_84 = tpu.vector_load %arg12[%swap3A_83] {strides = array<i32>} : memref<512xf32, #tpu.memory_space<vmem>>, vector<16xf32>,
      %swap3A_85 = vector.shape_cast %swap3A_84 : vector<16xf32> to vector<16xf32>
      %swap3A_86 = vector.shape_cast %broadcast_in_dim3A_3 : vector<16xf32> to vector<16xf32>
      tpu.vector_store %arg12[%swap3A_83], %swap3A_86 {strides = array<i32>} : memref<512xf32, #tpu.memory_space<vmem>>, vector<16xf32>,
      %swap3A_87 = arith.constant 128 : index
      %swap3A_88 = tpu.vector_load %arg12[%swap3A_87] {strides = array<i32>} : memref<512xf32, #tpu.memory_space<vmem>>, vector<16xf32>,
      %swap3A_89 = vector.shape_cast %swap3A_88 : vector<16xf32> to vector<16xf32>
      %swap3A_90 = vector.shape_cast %broadcast_in_dim3A_3 : vector<16xf32> to vector<16xf32>
      tpu.vector_store %arg12[%swap3A_87], %swap3A_90 {strides = array<i32>} : memref<512xf32, #tpu.memory_space<vmem>>, vector<16xf32>,
      %swap3A_91 = arith.constant 144 : index
      %swap3A_92 = tpu.vector_load %arg12[%swap3A_91] {strides = array<i32>} : memref<512xf32, #tpu.memory_space<vmem>>, vector<16xf32>,
      %swap3A_93 = vector.shape_cast %swap3A_92 : vector<16xf32> to vector<16xf32>
      %swap3A_94 = vector.shape_cast %broadcast_in_dim3A_3 : vector<16xf32> to vector<16xf32>
      tpu.vector_store %arg12[%swap3A_91], %swap3A_94 {strides = array<i32>} : memref<512xf32, #tpu.memory_space<vmem>>, vector<16xf32>,
      %swap3A_95 = arith.constant 160 : index
      %swap3A_96 = tpu.vector_load %arg12[%swap3A_95] {strides = array<i32>} : memref<512xf32, #tpu.memory_space<vmem>>, vector<16xf32>,
      %swap3A_97 = vector.shape_cast %swap3A_96 : vector<16xf32> to vector<16xf32>
      %swap3A_98 = vector.shape_cast %broadcast_in_dim3A_3 : vector<16xf32> to vector<16xf32>
      tpu.vector_store %arg12[%swap3A_95], %swap3A_98 {strides = array<i32>} : memref<512xf32, #tpu.memory_space<vmem>>, vector<16xf32>,
      %swap3A_99 = arith.constant 176 : index
      %swap3A_100 = tpu.vector_load %arg12[%swap3A_99] {strides = array<i32>} : memref<512xf32, #tpu.memory_space<vmem>>, vector<16xf32>,
      %swap3A_101 = vector.shape_cast %swap3A_100 : vector<16xf32> to vector<16xf32>
      %swap3A_102 = vector.shape_cast %broadcast_in_dim3A_3 : vector<16xf32> to vector<16xf32>
      tpu.vector_store %arg12[%swap3A_99], %swap3A_102 {strides = array<i32>} : memref<512xf32, #tpu.memory_space<vmem>>, vector<16xf32>,
      %swap3A_103 = arith.constant 192 : index
      %swap3A_104 = tpu.vector_load %arg12[%swap3A_103] {strides = array<i32>} : memref<512xf32, #tpu.memory_space<vmem>>, vector<16xf32>,
      %swap3A_105 = vector.shape_cast %swap3A_104 : vector<16xf32> to vector<16xf32>
      %swap3A_106 = vector.shape_cast %broadcast_in_dim3A_3 : vector<16xf32> to vector<16xf32>
      tpu.vector_store %arg12[%swap3A_103], %swap3A_106 {strides = array<i32>} : memref<512xf32, #tpu.memory_space<vmem>>, vector<16xf32>,
      %swap3A_107 = arith.constant 208 : index
      %swap3A_108 = tpu.vector_load %arg12[%swap3A_107] {strides = array<i32>} : memref<512xf32, #tpu.memory_space<vmem>>, vector<16xf32>,
      %swap3A_109 = vector.shape_cast %swap3A_108 : vector<16xf32> to vector<16xf32>
      %swap3A_110 = vector.shape_cast %broadcast_in_dim3A_3 : vector<16xf32> to vector<16xf32>
      tpu.vector_store %arg12[%swap3A_107], %swap3A_110 {strides = array<i32>} : memref<512xf32, #tpu.memory_space<vmem>>, vector<16xf32>,
      %swap3A_111 = arith.constant 224 : index
      %swap3A_112 = tpu.vector_load %arg12[%swap3A_111] {strides = array<i32>} : memref<512xf32, #tpu.memory_space<vmem>>, vector<16xf32>,
      %swap3A_113 = vector.shape_cast %swap3A_112 : vector<16xf32> to vector<16xf32>
      %swap3A_114 = vector.shape_cast %broadcast_in_dim3A_3 : vector<16xf32> to vector<16xf32>
      tpu.vector_store %arg12[%swap3A_111], %swap3A_114 {strides = array<i32>} : memref<512xf32, #tpu.memory_space<vmem>>, vector<16xf32>,
      %swap3A_115 = arith.constant 240 : index
      %swap3A_116 = tpu.vector_load %arg12[%swap3A_115] {strides = array<i32>} : memref<512xf32, #tpu.memory_space<vmem>>, vector<16xf32>,
      %swap3A_117 = vector.shape_cast %swap3A_116 : vector<16xf32> to vector<16xf32>
      %swap3A_118 = vector.shape_cast %broadcast_in_dim3A_3 : vector<16xf32> to vector<16xf32>
      tpu.vector_store %arg12[%swap3A_115], %swap3A_118 {strides = array<i32>} : memref<512xf32, #tpu.memory_space<vmem>>, vector<16xf32>,
      %swap3A_119 = arith.constant 256 : index
      %swap3A_120 = tpu.vector_load %arg12[%swap3A_119] {strides = array<i32>} : memref<512xf32, #tpu.memory_space<vmem>>, vector<16xf32>,
      %swap3A_121 = vector.shape_cast %swap3A_120 : vector<16xf32> to vector<16xf32>
      %swap3A_122 = vector.shape_cast %broadcast_in_dim3A_3 : vector<16xf32> to vector<16xf32>
      tpu.vector_store %arg12[%swap3A_119], %swap3A_122 {strides = array<i32>} : memref<512xf32, #tpu.memory_space<vmem>>, vector<16xf32>,
      %swap3A_123 = arith.constant 272 : index
      %swap3A_124 = tpu.vector_load %arg12[%swap3A_123] {strides = array<i32>} : memref<512xf32, #tpu.memory_space<vmem>>, vector<16xf32>,
      %swap3A_125 = vector.shape_cast %swap3A_124 : vector<16xf32> to vector<16xf32>
      %swap3A_126 = vector.shape_cast %broadcast_in_dim3A_3 : vector<16xf32> to vector<16xf32>
      tpu.vector_store %arg12[%swap3A_123], %swap3A_126 {strides = array<i32>} : memref<512xf32, #tpu.memory_space<vmem>>, vector<16xf32>,
      %swap3A_127 = arith.constant 288 : index
      %swap3A_128 = tpu.vector_load %arg12[%swap3A_127] {strides = array<i32>} : memref<512xf32, #tpu.memory_space<vmem>>, vector<16xf32>,
      %swap3A_129 = vector.shape_cast %swap3A_128 : vector<16xf32> to vector<16xf32>
      %swap3A_130 = vector.shape_cast %broadcast_in_dim3A_3 : vector<16xf32> to vector<16xf32>
      tpu.vector_store %arg12[%swap3A_127], %swap3A_130 {strides = array<i32>} : memref<512xf32, #tpu.memory_space<vmem>>, vector<16xf32>,
      %swap3A_131 = arith.constant 304 : index
      %swap3A_132 = tpu.vector_load %arg12[%swap3A_131] {strides = array<i32>} : memref<512xf32, #tpu.memory_space<vmem>>, vector<16xf32>,
      %swap3A_133 = vector.shape_cast %swap3A_132 : vector<16xf32> to vector<16xf32>
      %swap3A_134 = vector.shape_cast %broadcast_in_dim3A_3 : vector<16xf32> to vector<16xf32>
      tpu.vector_store %arg12[%swap3A_131], %swap3A_134 {strides = array<i32>} : memref<512xf32, #tpu.memory_space<vmem>>, vector<16xf32>,
      %swap3A_135 = arith.constant 320 : index
      %swap3A_136 = tpu.vector_load %arg12[%swap3A_135] {strides = array<i32>} : memref<512xf32, #tpu.memory_space<vmem>>, vector<16xf32>,
      %swap3A_137 = vector.shape_cast %swap3A_136 : vector<16xf32> to vector<16xf32>
      %swap3A_138 = vector.shape_cast %broadcast_in_dim3A_3 : vector<16xf32> to vector<16xf32>
      tpu.vector_store %arg12[%swap3A_135], %swap3A_138 {strides = array<i32>} : memref<512xf32, #tpu.memory_space<vmem>>, vector<16xf32>,
      %swap3A_139 = arith.constant 336 : index
      %swap3A_140 = tpu.vector_load %arg12[%swap3A_139] {strides = array<i32>} : memref<512xf32, #tpu.memory_space<vmem>>, vector<16xf32>,
      %swap3A_141 = vector.shape_cast %swap3A_140 : vector<16xf32> to vector<16xf32>
      %swap3A_142 = vector.shape_cast %broadcast_in_dim3A_3 : vector<16xf32> to vector<16xf32>
      tpu.vector_store %arg12[%swap3A_139], %swap3A_142 {strides = array<i32>} : memref<512xf32, #tpu.memory_space<vmem>>, vector<16xf32>,
      %swap3A_143 = arith.constant 352 : index
      %swap3A_144 = tpu.vector_load %arg12[%swap3A_143] {strides = array<i32>} : memref<512xf32, #tpu.memory_space<vmem>>, vector<16xf32>,
      %swap3A_145 = vector.shape_cast %swap3A_144 : vector<16xf32> to vector<16xf32>
      %swap3A_146 = vector.shape_cast %broadcast_in_dim3A_3 : vector<16xf32> to vector<16xf32>
      tpu.vector_store %arg12[%swap3A_143], %swap3A_146 {strides = array<i32>} : memref<512xf32, #tpu.memory_space<vmem>>, vector<16xf32>,
      %swap3A_147 = arith.constant 368 : index
      %swap3A_148 = tpu.vector_load %arg12[%swap3A_147] {strides = array<i32>} : memref<512xf32, #tpu.memory_space<vmem>>, vector<16xf32>,
      %swap3A_149 = vector.shape_cast %swap3A_148 : vector<16xf32> to vector<16xf32>
      %swap3A_150 = vector.shape_cast %broadcast_in_dim3A_3 : vector<16xf32> to vector<16xf32>
      tpu.vector_store %arg12[%swap3A_147], %swap3A_150 {strides = array<i32>} : memref<512xf32, #tpu.memory_space<vmem>>, vector<16xf32>,
      %swap3A_151 = arith.constant 384 : index
      %swap3A_152 = tpu.vector_load %arg12[%swap3A_151] {strides = array<i32>} : memref<512xf32, #tpu.memory_space<vmem>>, vector<16xf32>,
      %swap3A_153 = vector.shape_cast %swap3A_152 : vector<16xf32> to vector<16xf32>
      %swap3A_154 = vector.shape_cast %broadcast_in_dim3A_3 : vector<16xf32> to vector<16xf32>
      tpu.vector_store %arg12[%swap3A_151], %swap3A_154 {strides = array<i32>} : memref<512xf32, #tpu.memory_space<vmem>>, vector<16xf32>,
      %swap3A_155 = arith.constant 400 : index
      %swap3A_156 = tpu.vector_load %arg12[%swap3A_155] {strides = array<i32>} : memref<512xf32, #tpu.memory_space<vmem>>, vector<16xf32>,
      %swap3A_157 = vector.shape_cast %swap3A_156 : vector<16xf32> to vector<16xf32>
      %swap3A_158 = vector.shape_cast %broadcast_in_dim3A_3 : vector<16xf32> to vector<16xf32>
      tpu.vector_store %arg12[%swap3A_155], %swap3A_158 {strides = array<i32>} : memref<512xf32, #tpu.memory_space<vmem>>, vector<16xf32>,
      %swap3A_159 = arith.constant 416 : index
      %swap3A_160 = tpu.vector_load %arg12[%swap3A_159] {strides = array<i32>} : memref<512xf32, #tpu.memory_space<vmem>>, vector<16xf32>,
      %swap3A_161 = vector.shape_cast %swap3A_160 : vector<16xf32> to vector<16xf32>
      %swap3A_162 = vector.shape_cast %broadcast_in_dim3A_3 : vector<16xf32> to vector<16xf32>
      tpu.vector_store %arg12[%swap3A_159], %swap3A_162 {strides = array<i32>} : memref<512xf32, #tpu.memory_space<vmem>>, vector<16xf32>,
      %swap3A_163 = arith.constant 432 : index
      %swap3A_164 = tpu.vector_load %arg12[%swap3A_163] {strides = array<i32>} : memref<512xf32, #tpu.memory_space<vmem>>, vector<16xf32>,
      %swap3A_165 = vector.shape_cast %swap3A_164 : vector<16xf32> to vector<16xf32>
      %swap3A_166 = vector.shape_cast %broadcast_in_dim3A_3 : vector<16xf32> to vector<16xf32>
      tpu.vector_store %arg12[%swap3A_163], %swap3A_166 {strides = array<i32>} : memref<512xf32, #tpu.memory_space<vmem>>, vector<16xf32>,
      %swap3A_167 = arith.constant 448 : index
      %swap3A_168 = tpu.vector_load %arg12[%swap3A_167] {strides = array<i32>} : memref<512xf32, #tpu.memory_space<vmem>>, vector<16xf32>,
      %swap3A_169 = vector.shape_cast %swap3A_168 : vector<16xf32> to vector<16xf32>
      %swap3A_170 = vector.shape_cast %broadcast_in_dim3A_3 : vector<16xf32> to vector<16xf32>
      tpu.vector_store %arg12[%swap3A_167], %swap3A_170 {strides = array<i32>} : memref<512xf32, #tpu.memory_space<vmem>>, vector<16xf32>,
      %swap3A_171 = arith.constant 464 : index
      %swap3A_172 = tpu.vector_load %arg12[%swap3A_171] {strides = array<i32>} : memref<512xf32, #tpu.memory_space<vmem>>, vector<16xf32>,
      %swap3A_173 = vector.shape_cast %swap3A_172 : vector<16xf32> to vector<16xf32>
      %swap3A_174 = vector.shape_cast %broadcast_in_dim3A_3 : vector<16xf32> to vector<16xf32>
      tpu.vector_store %arg12[%swap3A_171], %swap3A_174 {strides = array<i32>} : memref<512xf32, #tpu.memory_space<vmem>>, vector<16xf32>,
      %swap3A_175 = arith.constant 480 : index
      %swap3A_176 = tpu.vector_load %arg12[%swap3A_175] {strides = array<i32>} : memref<512xf32, #tpu.memory_space<vmem>>, vector<16xf32>,
      %swap3A_177 = vector.shape_cast %swap3A_176 : vector<16xf32> to vector<16xf32>
      %swap3A_178 = vector.shape_cast %broadcast_in_dim3A_3 : vector<16xf32> to vector<16xf32>
      tpu.vector_store %arg12[%swap3A_175], %swap3A_178 {strides = array<i32>} : memref<512xf32, #tpu.memory_space<vmem>>, vector<16xf32>,
      %swap3A_179 = arith.constant 496 : index
      %swap3A_180 = tpu.vector_load %arg12[%swap3A_179] {strides = array<i32>} : memref<512xf32, #tpu.memory_space<vmem>>, vector<16xf32>,
      %swap3A_181 = vector.shape_cast %swap3A_180 : vector<16xf32> to vector<16xf32>
      %swap3A_182 = vector.shape_cast %broadcast_in_dim3A_3 : vector<16xf32> to vector<16xf32>
      tpu.vector_store %arg12[%swap3A_179], %swap3A_182 {strides = array<i32>} : memref<512xf32, #tpu.memory_space<vmem>>, vector<16xf32>,
      %mul3A_183 = arith.constant 512 : i32
      %mul3A_184 = arith.muli %arg1, %mul3A_183 : i32
      "tpu.region"() ({
        %run_scoped3A = tpu.sem_alloc : memref<!tpu.dma_semaphore, #tpu.memory_space<semaphore_mem>>
        %dma_start3A_185 = tpu.memref_slice %arg15[%mul3A_184] : memref<8192xf32, #tpu.memory_space<vmem_shared>> -> memref<512xf32, #tpu.memory_space<vmem_shared>>
        %dma_start3A_186 = tpu.memref_slice %arg15[%mul3A_184] : memref<8192xf32, #tpu.memory_space<vmem_shared>> -> memref<512xf32, #tpu.memory_space<vmem_shared>>
        tpu.enqueue_dma source(%arg12 : memref<512xf32, #tpu.memory_space<vmem>>) target(%dma_start3A_186 : memref<512xf32, #tpu.memory_space<vmem_shared>>) target_semaphore(%run_scoped3A : memref<!tpu.dma_semaphore, #tpu.memory_space<semaphore_mem>>)
        %dma_wait3A_187 = tpu.memref_slice %arg15[%mul3A_184] : memref<8192xf32, #tpu.memory_space<vmem_shared>> -> memref<512xf32, #tpu.memory_space<vmem_shared>>
        %dma_wait3A_188 = tpu.memref_slice %arg15[%mul3A_184] : memref<8192xf32, #tpu.memory_space<vmem_shared>> -> memref<512xf32, #tpu.memory_space<vmem_shared>>
        tpu.wait_dma2 semaphore(%run_scoped3A : memref<!tpu.dma_semaphore, #tpu.memory_space<semaphore_mem>>) src(%arg12 : memref<512xf32, #tpu.memory_space<vmem>>) dst(%dma_wait3A_188 : memref<512xf32, #tpu.memory_space<vmem_shared>>)
        tpu.yield
      }) : () -> ()
    } else {
    }
    %barrier3A = arith.constant 0 : index
    tpu.barrier barrier_id(%barrier3A)
    %eq3A_40 = arith.constant 0 : i32
    %eq3A_41 = arith.cmpi eq, %arg0, %eq3A_40 : i32
    %convert_element_type3A_42 = arith.extui %eq3A_41 : i1 to i32
    %cond3A_43 = arith.constant 0 : i32
    %cond3A_44 = arith.cmpi ne, %convert_element_type3A_42, %cond3A_43 : i32
    scf.if %cond3A_44 {
      %swap3A = arith.constant 0 : index
      %swap3A_56 = tpu.vector_load %arg11[%swap3A] {strides = array<i32>} : memref<128xf32, #tpu.memory_space<vmem>>, vector<16xf32>,
      %swap3A_57 = vector.shape_cast %swap3A_56 : vector<16xf32> to vector<16xf32>
      %swap3A_58 = vector.shape_cast %broadcast_in_dim3A_5 : vector<16xf32> to vector<16xf32>
      tpu.vector_store %arg11[%swap3A], %swap3A_58 {strides = array<i32>} : memref<128xf32, #tpu.memory_space<vmem>>, vector<16xf32>,
      %swap3A_59 = arith.constant 16 : index
      %swap3A_60 = tpu.vector_load %arg11[%swap3A_59] {strides = array<i32>} : memref<128xf32, #tpu.memory_space<vmem>>, vector<16xf32>,
      %swap3A_61 = vector.shape_cast %swap3A_60 : vector<16xf32> to vector<16xf32>
      %swap3A_62 = vector.shape_cast %broadcast_in_dim3A_5 : vector<16xf32> to vector<16xf32>
      tpu.vector_store %arg11[%swap3A_59], %swap3A_62 {strides = array<i32>} : memref<128xf32, #tpu.memory_space<vmem>>, vector<16xf32>,
      %swap3A_63 = arith.constant 32 : index
      %swap3A_64 = tpu.vector_load %arg11[%swap3A_63] {strides = array<i32>} : memref<128xf32, #tpu.memory_space<vmem>>, vector<16xf32>,
      %swap3A_65 = vector.shape_cast %swap3A_64 : vector<16xf32> to vector<16xf32>
      %swap3A_66 = vector.shape_cast %broadcast_in_dim3A_5 : vector<16xf32> to vector<16xf32>
      tpu.vector_store %arg11[%swap3A_63], %swap3A_66 {strides = array<i32>} : memref<128xf32, #tpu.memory_space<vmem>>, vector<16xf32>,
      %swap3A_67 = arith.constant 48 : index
      %swap3A_68 = tpu.vector_load %arg11[%swap3A_67] {strides = array<i32>} : memref<128xf32, #tpu.memory_space<vmem>>, vector<16xf32>,
      %swap3A_69 = vector.shape_cast %swap3A_68 : vector<16xf32> to vector<16xf32>
      %swap3A_70 = vector.shape_cast %broadcast_in_dim3A_5 : vector<16xf32> to vector<16xf32>
      tpu.vector_store %arg11[%swap3A_67], %swap3A_70 {strides = array<i32>} : memref<128xf32, #tpu.memory_space<vmem>>, vector<16xf32>,
      %swap3A_71 = arith.constant 64 : index
      %swap3A_72 = tpu.vector_load %arg11[%swap3A_71] {strides = array<i32>} : memref<128xf32, #tpu.memory_space<vmem>>, vector<16xf32>,
      %swap3A_73 = vector.shape_cast %swap3A_72 : vector<16xf32> to vector<16xf32>
      %swap3A_74 = vector.shape_cast %broadcast_in_dim3A_5 : vector<16xf32> to vector<16xf32>
      tpu.vector_store %arg11[%swap3A_71], %swap3A_74 {strides = array<i32>} : memref<128xf32, #tpu.memory_space<vmem>>, vector<16xf32>,
      %swap3A_75 = arith.constant 80 : index
      %swap3A_76 = tpu.vector_load %arg11[%swap3A_75] {strides = array<i32>} : memref<128xf32, #tpu.memory_space<vmem>>, vector<16xf32>,
      %swap3A_77 = vector.shape_cast %swap3A_76 : vector<16xf32> to vector<16xf32>
      %swap3A_78 = vector.shape_cast %broadcast_in_dim3A_5 : vector<16xf32> to vector<16xf32>
      tpu.vector_store %arg11[%swap3A_75], %swap3A_78 {strides = array<i32>} : memref<128xf32, #tpu.memory_space<vmem>>, vector<16xf32>,
      %swap3A_79 = arith.constant 96 : index
      %swap3A_80 = tpu.vector_load %arg11[%swap3A_79] {strides = array<i32>} : memref<128xf32, #tpu.memory_space<vmem>>, vector<16xf32>,
      %swap3A_81 = vector.shape_cast %swap3A_80 : vector<16xf32> to vector<16xf32>
      %swap3A_82 = vector.shape_cast %broadcast_in_dim3A_5 : vector<16xf32> to vector<16xf32>
      tpu.vector_store %arg11[%swap3A_79], %swap3A_82 {strides = array<i32>} : memref<128xf32, #tpu.memory_space<vmem>>, vector<16xf32>,
      %swap3A_83 = arith.constant 112 : index
      %swap3A_84 = tpu.vector_load %arg11[%swap3A_83] {strides = array<i32>} : memref<128xf32, #tpu.memory_space<vmem>>, vector<16xf32>,
      %swap3A_85 = vector.shape_cast %swap3A_84 : vector<16xf32> to vector<16xf32>
      %swap3A_86 = vector.shape_cast %broadcast_in_dim3A_5 : vector<16xf32> to vector<16xf32>
      tpu.vector_store %arg11[%swap3A_83], %swap3A_86 {strides = array<i32>} : memref<128xf32, #tpu.memory_space<vmem>>, vector<16xf32>,
      %mul3A_87 = arith.constant 4 : i32
      %mul3A_88 = arith.muli %arg1, %mul3A_87 : i32
      "tpu.region"() ({
        %run_scoped3A_92 = tpu.sem_alloc : memref<!tpu.dma_semaphore, #tpu.memory_space<semaphore_mem>>
        %dma_start3A_93 = arith.constant 0 : i32
        %dma_start3A_94 = tpu.memref_slice %arg3[%mul3A_88, %dma_start3A_93] : memref<64x128xi32, #tpu.memory_space<hbm>> -> memref<4x128xi32, #tpu.memory_space<hbm>>
        %dma_start3A_95 = arith.constant 0 : i32
        %dma_start3A_96 = tpu.memref_slice %arg3[%mul3A_88, %dma_start3A_95] : memref<64x128xi32, #tpu.memory_space<hbm>> -> memref<4x128xi32, #tpu.memory_space<hbm>>
        tpu.enqueue_dma source(%dma_start3A_96 : memref<4x128xi32, #tpu.memory_space<hbm>>) target(%arg9 : memref<4x128xi32, #tpu.memory_space<vmem>>) target_semaphore(%run_scoped3A_92 : memref<!tpu.dma_semaphore, #tpu.memory_space<semaphore_mem>>)
        %dma_wait3A_97 = arith.constant 0 : i32
        %dma_wait3A_98 = tpu.memref_slice %arg3[%mul3A_88, %dma_wait3A_97] : memref<64x128xi32, #tpu.memory_space<hbm>> -> memref<4x128xi32, #tpu.memory_space<hbm>>
        %dma_wait3A_99 = arith.constant 0 : i32
        %dma_wait3A_100 = tpu.memref_slice %arg3[%mul3A_88, %dma_wait3A_99] : memref<64x128xi32, #tpu.memory_space<hbm>> -> memref<4x128xi32, #tpu.memory_space<hbm>>
        tpu.wait_dma2 semaphore(%run_scoped3A_92 : memref<!tpu.dma_semaphore, #tpu.memory_space<semaphore_mem>>) src(%dma_wait3A_100 : memref<4x128xi32, #tpu.memory_space<hbm>>) dst(%arg9 : memref<4x128xi32, #tpu.memory_space<vmem>>)
        tpu.yield
      }) : () -> ()
      %run_scoped3A = arith.constant 0 : i32
      "tpu.region"() ({
        %run_scoped3A_92 = tpu.sem_alloc : memref<!tpu.dma_semaphore, #tpu.memory_space<semaphore_mem>>
        %dma_start3A_93 = arith.constant 0 : i32
        %dma_start3A_94 = tpu.memref_slice %arg9[%run_scoped3A, %dma_start3A_93] : memref<4x128xi32, #tpu.memory_space<vmem>> -> memref<1x128xi32, #tpu.memory_space<vmem>>
        %dma_start3A_95 = tpu.memref_squeeze %dma_start3A_94 : memref<1x128xi32, #tpu.memory_space<vmem>> -> memref<128xi32, #tpu.memory_space<vmem>>
        %dma_start3A_96 = arith.constant 0 : i32
        %dma_start3A_97 = tpu.memref_slice %arg15[%dma_start3A_96] : memref<8192xf32, #tpu.memory_space<vmem_shared>> -> memref<8192xf32, #tpu.memory_space<vmem_shared>>
        tpu.enqueue_indirect_dma source(%arg11 : memref<128xf32, #tpu.memory_space<vmem>>) target(%dma_start3A_97 : memref<8192xf32, #tpu.memory_space<vmem_shared>>) offsets(%dma_start3A_95 : memref<128xi32, #tpu.memory_space<vmem>>) semaphore(%run_scoped3A_92 : memref<!tpu.dma_semaphore, #tpu.memory_space<semaphore_mem>>) {add = true}
        %dma_wait3A_98 = arith.constant 0 : i32
        %dma_wait3A_99 = tpu.memref_slice %arg9[%run_scoped3A, %dma_wait3A_98] : memref<4x128xi32, #tpu.memory_space<vmem>> -> memref<1x128xi32, #tpu.memory_space<vmem>>
        %dma_wait3A_100 = tpu.memref_squeeze %dma_wait3A_99 : memref<1x128xi32, #tpu.memory_space<vmem>> -> memref<128xi32, #tpu.memory_space<vmem>>
        %dma_wait3A_101 = arith.constant 0 : i32
        %dma_wait3A_102 = tpu.memref_slice %arg15[%dma_wait3A_101] : memref<8192xf32, #tpu.memory_space<vmem_shared>> -> memref<8192xf32, #tpu.memory_space<vmem_shared>>
        tpu.wait_indirect_dma semaphore(%run_scoped3A_92 : memref<!tpu.dma_semaphore, #tpu.memory_space<semaphore_mem>>) src(%arg11 : memref<128xf32, #tpu.memory_space<vmem>>) dst(%dma_wait3A_102 : memref<8192xf32, #tpu.memory_space<vmem_shared>>)
        tpu.yield
      }) : () -> ()
      %run_scoped3A_89 = arith.constant 1 : i32
      "tpu.region"() ({
        %run_scoped3A_92 = tpu.sem_alloc : memref<!tpu.dma_semaphore, #tpu.memory_space<semaphore_mem>>
        %dma_start3A_93 = arith.constant 0 : i32
        %dma_start3A_94 = tpu.memref_slice %arg9[%run_scoped3A_89, %dma_start3A_93] : memref<4x128xi32, #tpu.memory_space<vmem>> -> memref<1x128xi32, #tpu.memory_space<vmem>>
        %dma_start3A_95 = tpu.memref_squeeze %dma_start3A_94 : memref<1x128xi32, #tpu.memory_space<vmem>> -> memref<128xi32, #tpu.memory_space<vmem>>
        %dma_start3A_96 = arith.constant 0 : i32
        %dma_start3A_97 = tpu.memref_slice %arg15[%dma_start3A_96] : memref<8192xf32, #tpu.memory_space<vmem_shared>> -> memref<8192xf32, #tpu.memory_space<vmem_shared>>
        tpu.enqueue_indirect_dma source(%arg11 : memref<128xf32, #tpu.memory_space<vmem>>) target(%dma_start3A_97 : memref<8192xf32, #tpu.memory_space<vmem_shared>>) offsets(%dma_start3A_95 : memref<128xi32, #tpu.memory_space<vmem>>) semaphore(%run_scoped3A_92 : memref<!tpu.dma_semaphore, #tpu.memory_space<semaphore_mem>>) {add = true}
        %dma_wait3A_98 = arith.constant 0 : i32
        %dma_wait3A_99 = tpu.memref_slice %arg9[%run_scoped3A_89, %dma_wait3A_98] : memref<4x128xi32, #tpu.memory_space<vmem>> -> memref<1x128xi32, #tpu.memory_space<vmem>>
        %dma_wait3A_100 = tpu.memref_squeeze %dma_wait3A_99 : memref<1x128xi32, #tpu.memory_space<vmem>> -> memref<128xi32, #tpu.memory_space<vmem>>
        %dma_wait3A_101 = arith.constant 0 : i32
        %dma_wait3A_102 = tpu.memref_slice %arg15[%dma_wait3A_101] : memref<8192xf32, #tpu.memory_space<vmem_shared>> -> memref<8192xf32, #tpu.memory_space<vmem_shared>>
        tpu.wait_indirect_dma semaphore(%run_scoped3A_92 : memref<!tpu.dma_semaphore, #tpu.memory_space<semaphore_mem>>) src(%arg11 : memref<128xf32, #tpu.memory_space<vmem>>) dst(%dma_wait3A_102 : memref<8192xf32, #tpu.memory_space<vmem_shared>>)
        tpu.yield
      }) : () -> ()
      %run_scoped3A_90 = arith.constant 2 : i32
      "tpu.region"() ({
        %run_scoped3A_92 = tpu.sem_alloc : memref<!tpu.dma_semaphore, #tpu.memory_space<semaphore_mem>>
        %dma_start3A_93 = arith.constant 0 : i32
        %dma_start3A_94 = tpu.memref_slice %arg9[%run_scoped3A_90, %dma_start3A_93] : memref<4x128xi32, #tpu.memory_space<vmem>> -> memref<1x128xi32, #tpu.memory_space<vmem>>
        %dma_start3A_95 = tpu.memref_squeeze %dma_start3A_94 : memref<1x128xi32, #tpu.memory_space<vmem>> -> memref<128xi32, #tpu.memory_space<vmem>>
        %dma_start3A_96 = arith.constant 0 : i32
        %dma_start3A_97 = tpu.memref_slice %arg15[%dma_start3A_96] : memref<8192xf32, #tpu.memory_space<vmem_shared>> -> memref<8192xf32, #tpu.memory_space<vmem_shared>>
        tpu.enqueue_indirect_dma source(%arg11 : memref<128xf32, #tpu.memory_space<vmem>>) target(%dma_start3A_97 : memref<8192xf32, #tpu.memory_space<vmem_shared>>) offsets(%dma_start3A_95 : memref<128xi32, #tpu.memory_space<vmem>>) semaphore(%run_scoped3A_92 : memref<!tpu.dma_semaphore, #tpu.memory_space<semaphore_mem>>) {add = true}
        %dma_wait3A_98 = arith.constant 0 : i32
        %dma_wait3A_99 = tpu.memref_slice %arg9[%run_scoped3A_90, %dma_wait3A_98] : memref<4x128xi32, #tpu.memory_space<vmem>> -> memref<1x128xi32, #tpu.memory_space<vmem>>
        %dma_wait3A_100 = tpu.memref_squeeze %dma_wait3A_99 : memref<1x128xi32, #tpu.memory_space<vmem>> -> memref<128xi32, #tpu.memory_space<vmem>>
        %dma_wait3A_101 = arith.constant 0 : i32
        %dma_wait3A_102 = tpu.memref_slice %arg15[%dma_wait3A_101] : memref<8192xf32, #tpu.memory_space<vmem_shared>> -> memref<8192xf32, #tpu.memory_space<vmem_shared>>
        tpu.wait_indirect_dma semaphore(%run_scoped3A_92 : memref<!tpu.dma_semaphore, #tpu.memory_space<semaphore_mem>>) src(%arg11 : memref<128xf32, #tpu.memory_space<vmem>>) dst(%dma_wait3A_102 : memref<8192xf32, #tpu.memory_space<vmem_shared>>)
        tpu.yield
      }) : () -> ()
      %run_scoped3A_91 = arith.constant 3 : i32
      "tpu.region"() ({
        %run_scoped3A_92 = tpu.sem_alloc : memref<!tpu.dma_semaphore, #tpu.memory_space<semaphore_mem>>
        %dma_start3A_93 = arith.constant 0 : i32
        %dma_start3A_94 = tpu.memref_slice %arg9[%run_scoped3A_91, %dma_start3A_93] : memref<4x128xi32, #tpu.memory_space<vmem>> -> memref<1x128xi32, #tpu.memory_space<vmem>>
        %dma_start3A_95 = tpu.memref_squeeze %dma_start3A_94 : memref<1x128xi32, #tpu.memory_space<vmem>> -> memref<128xi32, #tpu.memory_space<vmem>>
        %dma_start3A_96 = arith.constant 0 : i32
        %dma_start3A_97 = tpu.memref_slice %arg15[%dma_start3A_96] : memref<8192xf32, #tpu.memory_space<vmem_shared>> -> memref<8192xf32, #tpu.memory_space<vmem_shared>>
        tpu.enqueue_indirect_dma source(%arg11 : memref<128xf32, #tpu.memory_space<vmem>>) target(%dma_start3A_97 : memref<8192xf32, #tpu.memory_space<vmem_shared>>) offsets(%dma_start3A_95 : memref<128xi32, #tpu.memory_space<vmem>>) semaphore(%run_scoped3A_92 : memref<!tpu.dma_semaphore, #tpu.memory_space<semaphore_mem>>) {add = true}
        %dma_wait3A_98 = arith.constant 0 : i32
        %dma_wait3A_99 = tpu.memref_slice %arg9[%run_scoped3A_91, %dma_wait3A_98] : memref<4x128xi32, #tpu.memory_space<vmem>> -> memref<1x128xi32, #tpu.memory_space<vmem>>
        %dma_wait3A_100 = tpu.memref_squeeze %dma_wait3A_99 : memref<1x128xi32, #tpu.memory_space<vmem>> -> memref<128xi32, #tpu.memory_space<vmem>>
        %dma_wait3A_101 = arith.constant 0 : i32
        %dma_wait3A_102 = tpu.memref_slice %arg15[%dma_wait3A_101] : memref<8192xf32, #tpu.memory_space<vmem_shared>> -> memref<8192xf32, #tpu.memory_space<vmem_shared>>
        tpu.wait_indirect_dma semaphore(%run_scoped3A_92 : memref<!tpu.dma_semaphore, #tpu.memory_space<semaphore_mem>>) src(%arg11 : memref<128xf32, #tpu.memory_space<vmem>>) dst(%dma_wait3A_102 : memref<8192xf32, #tpu.memory_space<vmem_shared>>)
        tpu.yield
      }) : () -> ()
    } else {
    }
    %barrier3A_45 = arith.constant 0 : index
    tpu.barrier barrier_id(%barrier3A_45)
    %eq3A_46 = arith.constant 0 : i32
    %eq3A_47 = arith.cmpi eq, %arg0, %eq3A_46 : i32
    %convert_element_type3A_48 = arith.extui %eq3A_47 : i1 to i32
    %cond3A_49 = arith.constant 0 : i32
    %cond3A_50 = arith.cmpi ne, %convert_element_type3A_48, %cond3A_49 : i32
    scf.if %cond3A_50 {
      %mul3A_56 = arith.constant 512 : i32
      %mul3A_57 = arith.muli %arg1, %mul3A_56 : i32
      "tpu.region"() ({
        %run_scoped3A = tpu.sem_alloc : memref<!tpu.dma_semaphore, #tpu.memory_space<semaphore_mem>>
        %dma_start3A_60 = tpu.memref_slice %arg15[%mul3A_57] : memref<8192xf32, #tpu.memory_space<vmem_shared>> -> memref<512xf32, #tpu.memory_space<vmem_shared>>
        %dma_start3A_61 = tpu.memref_slice %arg15[%mul3A_57] : memref<8192xf32, #tpu.memory_space<vmem_shared>> -> memref<512xf32, #tpu.memory_space<vmem_shared>>
        tpu.enqueue_dma source(%dma_start3A_61 : memref<512xf32, #tpu.memory_space<vmem_shared>>) target(%arg12 : memref<512xf32, #tpu.memory_space<vmem>>) target_semaphore(%run_scoped3A : memref<!tpu.dma_semaphore, #tpu.memory_space<semaphore_mem>>)
        %dma_wait3A_62 = tpu.memref_slice %arg15[%mul3A_57] : memref<8192xf32, #tpu.memory_space<vmem_shared>> -> memref<512xf32, #tpu.memory_space<vmem_shared>>
        %dma_wait3A_63 = tpu.memref_slice %arg15[%mul3A_57] : memref<8192xf32, #tpu.memory_space<vmem_shared>> -> memref<512xf32, #tpu.memory_space<vmem_shared>>
        tpu.wait_dma2 semaphore(%run_scoped3A : memref<!tpu.dma_semaphore, #tpu.memory_space<semaphore_mem>>) src(%dma_wait3A_63 : memref<512xf32, #tpu.memory_space<vmem_shared>>) dst(%arg12 : memref<512xf32, #tpu.memory_space<vmem>>)
        tpu.yield
      }) : () -> ()
      %mul3A_58 = arith.constant 512 : i32
      %mul3A_59 = arith.muli %arg1, %mul3A_58 : i32
      "tpu.region"() ({
        %run_scoped3A = tpu.sem_alloc : memref<!tpu.dma_semaphore, #tpu.memory_space<semaphore_mem>>
        %dma_start3A_60 = tpu.memref_slice %arg6[%mul3A_59] : memref<8192xf32, #tpu.memory_space<hbm>> -> memref<512xf32, #tpu.memory_space<hbm>>
        %dma_start3A_61 = tpu.memref_slice %arg6[%mul3A_59] : memref<8192xf32, #tpu.memory_space<hbm>> -> memref<512xf32, #tpu.memory_space<hbm>>
        tpu.enqueue_dma source(%arg12 : memref<512xf32, #tpu.memory_space<vmem>>) target(%dma_start3A_61 : memref<512xf32, #tpu.memory_space<hbm>>) target_semaphore(%run_scoped3A : memref<!tpu.dma_semaphore, #tpu.memory_space<semaphore_mem>>)
        %dma_wait3A_62 = tpu.memref_slice %arg6[%mul3A_59] : memref<8192xf32, #tpu.memory_space<hbm>> -> memref<512xf32, #tpu.memory_space<hbm>>
        %dma_wait3A_63 = tpu.memref_slice %arg6[%mul3A_59] : memref<8192xf32, #tpu.memory_space<hbm>> -> memref<512xf32, #tpu.memory_space<hbm>>
        tpu.wait_dma2 semaphore(%run_scoped3A : memref<!tpu.dma_semaphore, #tpu.memory_space<semaphore_mem>>) src(%arg12 : memref<512xf32, #tpu.memory_space<vmem>>) dst(%dma_wait3A_63 : memref<512xf32, #tpu.memory_space<hbm>>)
        tpu.yield
      }) : () -> ()
    } else {
    }
    %eq3A_51 = arith.constant 0 : i32
    %eq3A_52 = arith.cmpi eq, %arg0, %eq3A_51 : i32
    %convert_element_type3A_53 = arith.extui %eq3A_52 : i1 to i32
    %cond3A_54 = arith.constant 0 : i32
    %cond3A_55 = arith.cmpi ne, %convert_element_type3A_53, %cond3A_54 : i32
    scf.if %cond3A_55 {
      %mul3A_56 = arith.constant 512 : i32
      %mul3A_57 = arith.muli %arg1, %mul3A_56 : i32
      "tpu.region"() ({
        %run_scoped3A = tpu.sem_alloc : memref<!tpu.dma_semaphore, #tpu.memory_space<semaphore_mem>>
        %dma_start3A_188 = tpu.memref_slice %arg4[%mul3A_57] : memref<8192xf32, #tpu.memory_space<hbm>> -> memref<512xf32, #tpu.memory_space<hbm>>
        %dma_start3A_189 = tpu.memref_slice %arg4[%mul3A_57] : memref<8192xf32, #tpu.memory_space<hbm>> -> memref<512xf32, #tpu.memory_space<hbm>>
        tpu.enqueue_dma source(%dma_start3A_189 : memref<512xf32, #tpu.memory_space<hbm>>) target(%arg13 : memref<512xf32, #tpu.memory_space<vmem>>) target_semaphore(%run_scoped3A : memref<!tpu.dma_semaphore, #tpu.memory_space<semaphore_mem>>)
        %dma_wait3A_190 = tpu.memref_slice %arg4[%mul3A_57] : memref<8192xf32, #tpu.memory_space<hbm>> -> memref<512xf32, #tpu.memory_space<hbm>>
        %dma_wait3A_191 = tpu.memref_slice %arg4[%mul3A_57] : memref<8192xf32, #tpu.memory_space<hbm>> -> memref<512xf32, #tpu.memory_space<hbm>>
        tpu.wait_dma2 semaphore(%run_scoped3A : memref<!tpu.dma_semaphore, #tpu.memory_space<semaphore_mem>>) src(%dma_wait3A_191 : memref<512xf32, #tpu.memory_space<hbm>>) dst(%arg13 : memref<512xf32, #tpu.memory_space<vmem>>)
        tpu.yield
      }) : () -> ()
      %get3A = arith.constant 0 : index
      %get3A_58 = tpu.vector_load %arg13[%get3A] {strides = array<i32>} : memref<512xf32, #tpu.memory_space<vmem>>, vector<16xf32>,
      %get3A_59 = vector.shape_cast %get3A_58 : vector<16xf32> to vector<16xf32>
      %add3A_60 = arith.addf %broadcast_in_dim3A_3, %get3A_59 : vector<16xf32>
      %get3A_61 = arith.constant 16 : index
      %get3A_62 = tpu.vector_load %arg13[%get3A_61] {strides = array<i32>} : memref<512xf32, #tpu.memory_space<vmem>>, vector<16xf32>,
      %get3A_63 = vector.shape_cast %get3A_62 : vector<16xf32> to vector<16xf32>
      %add3A_64 = arith.addf %add3A_60, %get3A_63 : vector<16xf32>
      %get3A_65 = arith.constant 32 : index
      %get3A_66 = tpu.vector_load %arg13[%get3A_65] {strides = array<i32>} : memref<512xf32, #tpu.memory_space<vmem>>, vector<16xf32>,
      %get3A_67 = vector.shape_cast %get3A_66 : vector<16xf32> to vector<16xf32>
      %add3A_68 = arith.addf %add3A_64, %get3A_67 : vector<16xf32>
      %get3A_69 = arith.constant 48 : index
      %get3A_70 = tpu.vector_load %arg13[%get3A_69] {strides = array<i32>} : memref<512xf32, #tpu.memory_space<vmem>>, vector<16xf32>,
      %get3A_71 = vector.shape_cast %get3A_70 : vector<16xf32> to vector<16xf32>
      %add3A_72 = arith.addf %add3A_68, %get3A_71 : vector<16xf32>
      %get3A_73 = arith.constant 64 : index
      %get3A_74 = tpu.vector_load %arg13[%get3A_73] {strides = array<i32>} : memref<512xf32, #tpu.memory_space<vmem>>, vector<16xf32>,
      %get3A_75 = vector.shape_cast %get3A_74 : vector<16xf32> to vector<16xf32>
      %add3A_76 = arith.addf %add3A_72, %get3A_75 : vector<16xf32>
      %get3A_77 = arith.constant 80 : index
      %get3A_78 = tpu.vector_load %arg13[%get3A_77] {strides = array<i32>} : memref<512xf32, #tpu.memory_space<vmem>>, vector<16xf32>,
      %get3A_79 = vector.shape_cast %get3A_78 : vector<16xf32> to vector<16xf32>
      %add3A_80 = arith.addf %add3A_76, %get3A_79 : vector<16xf32>
      %get3A_81 = arith.constant 96 : index
      %get3A_82 = tpu.vector_load %arg13[%get3A_81] {strides = array<i32>} : memref<512xf32, #tpu.memory_space<vmem>>, vector<16xf32>,
      %get3A_83 = vector.shape_cast %get3A_82 : vector<16xf32> to vector<16xf32>
      %add3A_84 = arith.addf %add3A_80, %get3A_83 : vector<16xf32>
      %get3A_85 = arith.constant 112 : index
      %get3A_86 = tpu.vector_load %arg13[%get3A_85] {strides = array<i32>} : memref<512xf32, #tpu.memory_space<vmem>>, vector<16xf32>,
      %get3A_87 = vector.shape_cast %get3A_86 : vector<16xf32> to vector<16xf32>
      %add3A_88 = arith.addf %add3A_84, %get3A_87 : vector<16xf32>
      %get3A_89 = arith.constant 128 : index
      %get3A_90 = tpu.vector_load %arg13[%get3A_89] {strides = array<i32>} : memref<512xf32, #tpu.memory_space<vmem>>, vector<16xf32>,
      %get3A_91 = vector.shape_cast %get3A_90 : vector<16xf32> to vector<16xf32>
      %add3A_92 = arith.addf %add3A_88, %get3A_91 : vector<16xf32>
      %get3A_93 = arith.constant 144 : index
      %get3A_94 = tpu.vector_load %arg13[%get3A_93] {strides = array<i32>} : memref<512xf32, #tpu.memory_space<vmem>>, vector<16xf32>,
      %get3A_95 = vector.shape_cast %get3A_94 : vector<16xf32> to vector<16xf32>
      %add3A_96 = arith.addf %add3A_92, %get3A_95 : vector<16xf32>
      %get3A_97 = arith.constant 160 : index
      %get3A_98 = tpu.vector_load %arg13[%get3A_97] {strides = array<i32>} : memref<512xf32, #tpu.memory_space<vmem>>, vector<16xf32>,
      %get3A_99 = vector.shape_cast %get3A_98 : vector<16xf32> to vector<16xf32>
      %add3A_100 = arith.addf %add3A_96, %get3A_99 : vector<16xf32>
      %get3A_101 = arith.constant 176 : index
      %get3A_102 = tpu.vector_load %arg13[%get3A_101] {strides = array<i32>} : memref<512xf32, #tpu.memory_space<vmem>>, vector<16xf32>,
      %get3A_103 = vector.shape_cast %get3A_102 : vector<16xf32> to vector<16xf32>
      %add3A_104 = arith.addf %add3A_100, %get3A_103 : vector<16xf32>
      %get3A_105 = arith.constant 192 : index
      %get3A_106 = tpu.vector_load %arg13[%get3A_105] {strides = array<i32>} : memref<512xf32, #tpu.memory_space<vmem>>, vector<16xf32>,
      %get3A_107 = vector.shape_cast %get3A_106 : vector<16xf32> to vector<16xf32>
      %add3A_108 = arith.addf %add3A_104, %get3A_107 : vector<16xf32>
      %get3A_109 = arith.constant 208 : index
      %get3A_110 = tpu.vector_load %arg13[%get3A_109] {strides = array<i32>} : memref<512xf32, #tpu.memory_space<vmem>>, vector<16xf32>,
      %get3A_111 = vector.shape_cast %get3A_110 : vector<16xf32> to vector<16xf32>
      %add3A_112 = arith.addf %add3A_108, %get3A_111 : vector<16xf32>
      %get3A_113 = arith.constant 224 : index
      %get3A_114 = tpu.vector_load %arg13[%get3A_113] {strides = array<i32>} : memref<512xf32, #tpu.memory_space<vmem>>, vector<16xf32>,
      %get3A_115 = vector.shape_cast %get3A_114 : vector<16xf32> to vector<16xf32>
      %add3A_116 = arith.addf %add3A_112, %get3A_115 : vector<16xf32>
      %get3A_117 = arith.constant 240 : index
      %get3A_118 = tpu.vector_load %arg13[%get3A_117] {strides = array<i32>} : memref<512xf32, #tpu.memory_space<vmem>>, vector<16xf32>,
      %get3A_119 = vector.shape_cast %get3A_118 : vector<16xf32> to vector<16xf32>
      %add3A_120 = arith.addf %add3A_116, %get3A_119 : vector<16xf32>
      %get3A_121 = arith.constant 256 : index
      %get3A_122 = tpu.vector_load %arg13[%get3A_121] {strides = array<i32>} : memref<512xf32, #tpu.memory_space<vmem>>, vector<16xf32>,
      %get3A_123 = vector.shape_cast %get3A_122 : vector<16xf32> to vector<16xf32>
      %add3A_124 = arith.addf %add3A_120, %get3A_123 : vector<16xf32>
      %get3A_125 = arith.constant 272 : index
      %get3A_126 = tpu.vector_load %arg13[%get3A_125] {strides = array<i32>} : memref<512xf32, #tpu.memory_space<vmem>>, vector<16xf32>,
      %get3A_127 = vector.shape_cast %get3A_126 : vector<16xf32> to vector<16xf32>
      %add3A_128 = arith.addf %add3A_124, %get3A_127 : vector<16xf32>
      %get3A_129 = arith.constant 288 : index
      %get3A_130 = tpu.vector_load %arg13[%get3A_129] {strides = array<i32>} : memref<512xf32, #tpu.memory_space<vmem>>, vector<16xf32>,
      %get3A_131 = vector.shape_cast %get3A_130 : vector<16xf32> to vector<16xf32>
      %add3A_132 = arith.addf %add3A_128, %get3A_131 : vector<16xf32>
      %get3A_133 = arith.constant 304 : index
      %get3A_134 = tpu.vector_load %arg13[%get3A_133] {strides = array<i32>} : memref<512xf32, #tpu.memory_space<vmem>>, vector<16xf32>,
      %get3A_135 = vector.shape_cast %get3A_134 : vector<16xf32> to vector<16xf32>
      %add3A_136 = arith.addf %add3A_132, %get3A_135 : vector<16xf32>
      %get3A_137 = arith.constant 320 : index
      %get3A_138 = tpu.vector_load %arg13[%get3A_137] {strides = array<i32>} : memref<512xf32, #tpu.memory_space<vmem>>, vector<16xf32>,
      %get3A_139 = vector.shape_cast %get3A_138 : vector<16xf32> to vector<16xf32>
      %add3A_140 = arith.addf %add3A_136, %get3A_139 : vector<16xf32>
      %get3A_141 = arith.constant 336 : index
      %get3A_142 = tpu.vector_load %arg13[%get3A_141] {strides = array<i32>} : memref<512xf32, #tpu.memory_space<vmem>>, vector<16xf32>,
      %get3A_143 = vector.shape_cast %get3A_142 : vector<16xf32> to vector<16xf32>
      %add3A_144 = arith.addf %add3A_140, %get3A_143 : vector<16xf32>
      %get3A_145 = arith.constant 352 : index
      %get3A_146 = tpu.vector_load %arg13[%get3A_145] {strides = array<i32>} : memref<512xf32, #tpu.memory_space<vmem>>, vector<16xf32>,
      %get3A_147 = vector.shape_cast %get3A_146 : vector<16xf32> to vector<16xf32>
      %add3A_148 = arith.addf %add3A_144, %get3A_147 : vector<16xf32>
      %get3A_149 = arith.constant 368 : index
      %get3A_150 = tpu.vector_load %arg13[%get3A_149] {strides = array<i32>} : memref<512xf32, #tpu.memory_space<vmem>>, vector<16xf32>,
      %get3A_151 = vector.shape_cast %get3A_150 : vector<16xf32> to vector<16xf32>
      %add3A_152 = arith.addf %add3A_148, %get3A_151 : vector<16xf32>
      %get3A_153 = arith.constant 384 : index
      %get3A_154 = tpu.vector_load %arg13[%get3A_153] {strides = array<i32>} : memref<512xf32, #tpu.memory_space<vmem>>, vector<16xf32>,
      %get3A_155 = vector.shape_cast %get3A_154 : vector<16xf32> to vector<16xf32>
      %add3A_156 = arith.addf %add3A_152, %get3A_155 : vector<16xf32>
      %get3A_157 = arith.constant 400 : index
      %get3A_158 = tpu.vector_load %arg13[%get3A_157] {strides = array<i32>} : memref<512xf32, #tpu.memory_space<vmem>>, vector<16xf32>,
      %get3A_159 = vector.shape_cast %get3A_158 : vector<16xf32> to vector<16xf32>
      %add3A_160 = arith.addf %add3A_156, %get3A_159 : vector<16xf32>
      %get3A_161 = arith.constant 416 : index
      %get3A_162 = tpu.vector_load %arg13[%get3A_161] {strides = array<i32>} : memref<512xf32, #tpu.memory_space<vmem>>, vector<16xf32>,
      %get3A_163 = vector.shape_cast %get3A_162 : vector<16xf32> to vector<16xf32>
      %add3A_164 = arith.addf %add3A_160, %get3A_163 : vector<16xf32>
      %get3A_165 = arith.constant 432 : index
      %get3A_166 = tpu.vector_load %arg13[%get3A_165] {strides = array<i32>} : memref<512xf32, #tpu.memory_space<vmem>>, vector<16xf32>,
      %get3A_167 = vector.shape_cast %get3A_166 : vector<16xf32> to vector<16xf32>
      %add3A_168 = arith.addf %add3A_164, %get3A_167 : vector<16xf32>
      %get3A_169 = arith.constant 448 : index
      %get3A_170 = tpu.vector_load %arg13[%get3A_169] {strides = array<i32>} : memref<512xf32, #tpu.memory_space<vmem>>, vector<16xf32>,
      %get3A_171 = vector.shape_cast %get3A_170 : vector<16xf32> to vector<16xf32>
      %add3A_172 = arith.addf %add3A_168, %get3A_171 : vector<16xf32>
      %get3A_173 = arith.constant 464 : index
      %get3A_174 = tpu.vector_load %arg13[%get3A_173] {strides = array<i32>} : memref<512xf32, #tpu.memory_space<vmem>>, vector<16xf32>,
      %get3A_175 = vector.shape_cast %get3A_174 : vector<16xf32> to vector<16xf32>
      %add3A_176 = arith.addf %add3A_172, %get3A_175 : vector<16xf32>
      %get3A_177 = arith.constant 480 : index
      %get3A_178 = tpu.vector_load %arg13[%get3A_177] {strides = array<i32>} : memref<512xf32, #tpu.memory_space<vmem>>, vector<16xf32>,
      %get3A_179 = vector.shape_cast %get3A_178 : vector<16xf32> to vector<16xf32>
      %add3A_180 = arith.addf %add3A_176, %get3A_179 : vector<16xf32>
      %get3A_181 = arith.constant 496 : index
      %get3A_182 = tpu.vector_load %arg13[%get3A_181] {strides = array<i32>} : memref<512xf32, #tpu.memory_space<vmem>>, vector<16xf32>,
      %get3A_183 = vector.shape_cast %get3A_182 : vector<16xf32> to vector<16xf32>
      %add3A_184 = arith.addf %add3A_180, %get3A_183 : vector<16xf32>
      %swap3A = arith.constant 0 : index
      %swap3A_185 = tpu.vector_load %arg14[%swap3A] {strides = array<i32>} : memref<16xf32, #tpu.memory_space<vmem>>, vector<16xf32>,
      %swap3A_186 = vector.shape_cast %swap3A_185 : vector<16xf32> to vector<16xf32>
      %swap3A_187 = vector.shape_cast %add3A_184 : vector<16xf32> to vector<16xf32>
      tpu.vector_store %arg14[%swap3A], %swap3A_187 {strides = array<i32>} : memref<16xf32, #tpu.memory_space<vmem>>, vector<16xf32>,
      "tpu.region"() ({
        %run_scoped3A = tpu.sem_alloc : memref<!tpu.dma_semaphore, #tpu.memory_space<semaphore_mem>>
        %dma_start3A_188 = arith.constant 0 : i32
        %dma_start3A_189 = tpu.memref_slice %arg7[%arg1, %dma_start3A_188] : memref<16x16xf32, #tpu.memory_space<hbm>> -> memref<1x16xf32, #tpu.memory_space<hbm>>
        %dma_start3A_190 = tpu.memref_squeeze %dma_start3A_189 : memref<1x16xf32, #tpu.memory_space<hbm>> -> memref<16xf32, #tpu.memory_space<hbm>>
        %dma_start3A_191 = arith.constant 0 : i32
        %dma_start3A_192 = tpu.memref_slice %arg7[%arg1, %dma_start3A_191] : memref<16x16xf32, #tpu.memory_space<hbm>> -> memref<1x16xf32, #tpu.memory_space<hbm>>
        %dma_start3A_193 = tpu.memref_squeeze %dma_start3A_192 : memref<1x16xf32, #tpu.memory_space<hbm>> -> memref<16xf32, #tpu.memory_space<hbm>>
        tpu.enqueue_dma source(%arg14 : memref<16xf32, #tpu.memory_space<vmem>>) target(%dma_start3A_193 : memref<16xf32, #tpu.memory_space<hbm>>) target_semaphore(%run_scoped3A : memref<!tpu.dma_semaphore, #tpu.memory_space<semaphore_mem>>)
        %dma_wait3A_194 = arith.constant 0 : i32
        %dma_wait3A_195 = tpu.memref_slice %arg7[%arg1, %dma_wait3A_194] : memref<16x16xf32, #tpu.memory_space<hbm>> -> memref<1x16xf32, #tpu.memory_space<hbm>>
        %dma_wait3A_196 = tpu.memref_squeeze %dma_wait3A_195 : memref<1x16xf32, #tpu.memory_space<hbm>> -> memref<16xf32, #tpu.memory_space<hbm>>
        %dma_wait3A_197 = arith.constant 0 : i32
        %dma_wait3A_198 = tpu.memref_slice %arg7[%arg1, %dma_wait3A_197] : memref<16x16xf32, #tpu.memory_space<hbm>> -> memref<1x16xf32, #tpu.memory_space<hbm>>
        %dma_wait3A_199 = tpu.memref_squeeze %dma_wait3A_198 : memref<1x16xf32, #tpu.memory_space<hbm>> -> memref<16xf32, #tpu.memory_space<hbm>>
        tpu.wait_dma2 semaphore(%run_scoped3A : memref<!tpu.dma_semaphore, #tpu.memory_space<semaphore_mem>>) src(%arg14 : memref<16xf32, #tpu.memory_space<vmem>>) dst(%dma_wait3A_199 : memref<16xf32, #tpu.memory_space<hbm>>)
        tpu.yield
      }) : () -> ()
    } else {
    }
    return
  }
}

module attributes {stable_mosaic.version = 14 : i64} {
  func.func @_argmin_kernel(%arg0: i32, %arg1: i32, %arg2: memref<1024x256xf32, #tpu.memory_space<vmem>>, %arg3: memref<256x2048xf32, #tpu.memory_space<vmem>>, %arg4: memref<1024x1xf32, #tpu.memory_space<vmem>>, %arg5: memref<1x2048xf32, #tpu.memory_space<vmem>>, %arg6: memref<1x1x1024xi32, #tpu.memory_space<vmem>>, %arg7: memref<1x1x1024xf32, #tpu.memory_space<vmem>>, %arg8: memref<1024x128xf32, #tpu.memory_space<vmem>>, %arg9: memref<1024x128xi32, #tpu.memory_space<vmem>>) attributes {dimension_semantics = [#tpu.dimension_semantics<parallel>, #tpu.dimension_semantics<arbitrary>], iteration_bounds = array<i64: 8, 4>, scalar_prefetch = 0 : i64, scratch_operands = 2 : i64, tpu.core_type = #tpu.core_type<tc>, window_params = [{transform_indices = @transform_0, window_bounds = array<i64: 1024, 256>}, {transform_indices = @transform_1, window_bounds = array<i64: 256, 2048>}, {transform_indices = @transform_2, window_bounds = array<i64: 1024, 1>}, {transform_indices = @transform_3, window_bounds = array<i64: 1, 2048>}, {transform_indices = @transform_4, window_bounds = array<i64: 1, 1, 1024>}, {transform_indices = @transform_5, window_bounds = array<i64: 1, 1, 1024>}]} {
    %get3A = arith.constant 0 : index
    %get3A_0 = arith.constant 0 : index
    %get3A_1 = vector.load %arg2[%get3A, %get3A_0] : memref<1024x256xf32, #tpu.memory_space<vmem>>, vector<1024x256xf32>
    %mul3A = arith.constant -2.000000e+00 : f32
    %mul3A_2 = vector.broadcast %mul3A : f32 to vector<1024x256xf32>
    %mul3A_3 = arith.mulf %get3A_1, %mul3A_2 : vector<1024x256xf32>
    %get3A_4 = arith.constant 0 : index
    %get3A_5 = arith.constant 0 : index
    %get3A_6 = vector.load %arg3[%get3A_4, %get3A_5] : memref<256x2048xf32, #tpu.memory_space<vmem>>, vector<256x2048xf32>
    %dot_general3A = arith.constant dense<0.000000e+00> : vector<1024x2048xf32>
    %dot_general3A_7 = tpu.matmul %mul3A_3, %get3A_6, %dot_general3A {dimension_numbers = #tpu.dot_dimension_numbers<[1], [0], [0], [1], [0, 0, 1, 1], [], []>, transpose_lhs_hint = false} : vector<1024x256xf32>, vector<256x2048xf32>, vector<1024x2048xf32> -> vector<1024x2048xf32>
    %get3A_8 = arith.constant 0 : index
    %get3A_9 = arith.constant 0 : index
    %get3A_10 = vector.load %arg4[%get3A_8, %get3A_9] : memref<1024x1xf32, #tpu.memory_space<vmem>>, vector<1024x1xf32>
    %broadcast_in_dim3A = vector.shape_cast %get3A_10 : vector<1024x1xf32> to vector<1024x1xf32>
    %broadcast_in_dim3A_11 = vector.broadcast %broadcast_in_dim3A : vector<1024x1xf32> to vector<1024x128xf32>
    %get3A_12 = arith.constant 0 : index
    %get3A_13 = arith.constant 0 : index
    %get3A_14 = vector.load %arg5[%get3A_12, %get3A_13] : memref<1x2048xf32, #tpu.memory_space<vmem>>, vector<1x2048xf32>
    %eq3A = arith.constant 0 : i32
    %eq3A_15 = arith.cmpi eq, %arg1, %eq3A : i32
    %convert_element_type3A = arith.extui %eq3A_15 : i1 to i32
    %cond3A = arith.constant 0 : i32
    %cond3A_16 = arith.cmpi ne, %convert_element_type3A, %cond3A : i32
    scf.if %cond3A_16 {
      %slice3A = vector.extract_strided_slice %dot_general3A_7 {offsets = [0, 0], sizes = [1024, 128], strides = [1, 1]} : vector<1024x2048xf32> to vector<1024x128xf32>
      %add3A = arith.addf %broadcast_in_dim3A_11, %slice3A : vector<1024x128xf32>
      %slice3A_26 = vector.extract_strided_slice %get3A_14 {offsets = [0, 0], sizes = [1, 128], strides = [1, 1]} : vector<1x2048xf32> to vector<1x128xf32>
      %broadcast_in_dim3A_27 = vector.shape_cast %slice3A_26 : vector<1x128xf32> to vector<1x128xf32>
      %broadcast_in_dim3A_28 = vector.broadcast %broadcast_in_dim3A_27 : vector<1x128xf32> to vector<1024x128xf32>
      %add3A_29 = arith.addf %add3A, %broadcast_in_dim3A_28 : vector<1024x128xf32>
      %broadcast_in_dim3A_30 = arith.constant 0 : i32
      %broadcast_in_dim3A_31 = vector.broadcast %broadcast_in_dim3A_30 : i32 to vector<1024x128xi32>
      %slice3A_32 = vector.extract_strided_slice %dot_general3A_7 {offsets = [0, 128], sizes = [1024, 128], strides = [1, 1]} : vector<1024x2048xf32> to vector<1024x128xf32>
      %add3A_33 = arith.addf %broadcast_in_dim3A_11, %slice3A_32 : vector<1024x128xf32>
      %slice3A_34 = vector.extract_strided_slice %get3A_14 {offsets = [0, 128], sizes = [1, 128], strides = [1, 1]} : vector<1x2048xf32> to vector<1x128xf32>
      %broadcast_in_dim3A_35 = vector.shape_cast %slice3A_34 : vector<1x128xf32> to vector<1x128xf32>
      %broadcast_in_dim3A_36 = vector.broadcast %broadcast_in_dim3A_35 : vector<1x128xf32> to vector<1024x128xf32>
      %add3A_37 = arith.addf %add3A_33, %broadcast_in_dim3A_36 : vector<1024x128xf32>
      %mul3A_38 = arith.constant 16 : i32
      %mul3A_39 = arith.muli %arg1, %mul3A_38 : i32
      %add3A_40 = arith.constant 1 : i32
      %add3A_41 = arith.addi %mul3A_39, %add3A_40 : i32
      %broadcast_in_dim3A_42 = vector.broadcast %add3A_41 : i32 to vector<1024x128xi32>
      %slice3A_43 = vector.extract_strided_slice %dot_general3A_7 {offsets = [0, 256], sizes = [1024, 128], strides = [1, 1]} : vector<1024x2048xf32> to vector<1024x128xf32>
      %add3A_44 = arith.addf %broadcast_in_dim3A_11, %slice3A_43 : vector<1024x128xf32>
      %slice3A_45 = vector.extract_strided_slice %get3A_14 {offsets = [0, 256], sizes = [1, 128], strides = [1, 1]} : vector<1x2048xf32> to vector<1x128xf32>
      %broadcast_in_dim3A_46 = vector.shape_cast %slice3A_45 : vector<1x128xf32> to vector<1x128xf32>
      %broadcast_in_dim3A_47 = vector.broadcast %broadcast_in_dim3A_46 : vector<1x128xf32> to vector<1024x128xf32>
      %add3A_48 = arith.addf %add3A_44, %broadcast_in_dim3A_47 : vector<1024x128xf32>
      %mul3A_49 = arith.constant 16 : i32
      %mul3A_50 = arith.muli %arg1, %mul3A_49 : i32
      %add3A_51 = arith.constant 2 : i32
      %add3A_52 = arith.addi %mul3A_50, %add3A_51 : i32
      %broadcast_in_dim3A_53 = vector.broadcast %add3A_52 : i32 to vector<1024x128xi32>
      %slice3A_54 = vector.extract_strided_slice %dot_general3A_7 {offsets = [0, 384], sizes = [1024, 128], strides = [1, 1]} : vector<1024x2048xf32> to vector<1024x128xf32>
      %add3A_55 = arith.addf %broadcast_in_dim3A_11, %slice3A_54 : vector<1024x128xf32>
      %slice3A_56 = vector.extract_strided_slice %get3A_14 {offsets = [0, 384], sizes = [1, 128], strides = [1, 1]} : vector<1x2048xf32> to vector<1x128xf32>
      %broadcast_in_dim3A_57 = vector.shape_cast %slice3A_56 : vector<1x128xf32> to vector<1x128xf32>
      %broadcast_in_dim3A_58 = vector.broadcast %broadcast_in_dim3A_57 : vector<1x128xf32> to vector<1024x128xf32>
      %add3A_59 = arith.addf %add3A_55, %broadcast_in_dim3A_58 : vector<1024x128xf32>
      %mul3A_60 = arith.constant 16 : i32
      %mul3A_61 = arith.muli %arg1, %mul3A_60 : i32
      %add3A_62 = arith.constant 3 : i32
      %add3A_63 = arith.addi %mul3A_61, %add3A_62 : i32
      %broadcast_in_dim3A_64 = vector.broadcast %add3A_63 : i32 to vector<1024x128xi32>
      %slice3A_65 = vector.extract_strided_slice %dot_general3A_7 {offsets = [0, 512], sizes = [1024, 128], strides = [1, 1]} : vector<1024x2048xf32> to vector<1024x128xf32>
      %add3A_66 = arith.addf %broadcast_in_dim3A_11, %slice3A_65 : vector<1024x128xf32>
      %slice3A_67 = vector.extract_strided_slice %get3A_14 {offsets = [0, 512], sizes = [1, 128], strides = [1, 1]} : vector<1x2048xf32> to vector<1x128xf32>
      %broadcast_in_dim3A_68 = vector.shape_cast %slice3A_67 : vector<1x128xf32> to vector<1x128xf32>
      %broadcast_in_dim3A_69 = vector.broadcast %broadcast_in_dim3A_68 : vector<1x128xf32> to vector<1024x128xf32>
      %add3A_70 = arith.addf %add3A_66, %broadcast_in_dim3A_69 : vector<1024x128xf32>
      %mul3A_71 = arith.constant 16 : i32
      %mul3A_72 = arith.muli %arg1, %mul3A_71 : i32
      %add3A_73 = arith.constant 4 : i32
      %add3A_74 = arith.addi %mul3A_72, %add3A_73 : i32
      %broadcast_in_dim3A_75 = vector.broadcast %add3A_74 : i32 to vector<1024x128xi32>
      %slice3A_76 = vector.extract_strided_slice %dot_general3A_7 {offsets = [0, 640], sizes = [1024, 128], strides = [1, 1]} : vector<1024x2048xf32> to vector<1024x128xf32>
      %add3A_77 = arith.addf %broadcast_in_dim3A_11, %slice3A_76 : vector<1024x128xf32>
      %slice3A_78 = vector.extract_strided_slice %get3A_14 {offsets = [0, 640], sizes = [1, 128], strides = [1, 1]} : vector<1x2048xf32> to vector<1x128xf32>
      %broadcast_in_dim3A_79 = vector.shape_cast %slice3A_78 : vector<1x128xf32> to vector<1x128xf32>
      %broadcast_in_dim3A_80 = vector.broadcast %broadcast_in_dim3A_79 : vector<1x128xf32> to vector<1024x128xf32>
      %add3A_81 = arith.addf %add3A_77, %broadcast_in_dim3A_80 : vector<1024x128xf32>
      %mul3A_82 = arith.constant 16 : i32
      %mul3A_83 = arith.muli %arg1, %mul3A_82 : i32
      %add3A_84 = arith.constant 5 : i32
      %add3A_85 = arith.addi %mul3A_83, %add3A_84 : i32
      %broadcast_in_dim3A_86 = vector.broadcast %add3A_85 : i32 to vector<1024x128xi32>
      %slice3A_87 = vector.extract_strided_slice %dot_general3A_7 {offsets = [0, 768], sizes = [1024, 128], strides = [1, 1]} : vector<1024x2048xf32> to vector<1024x128xf32>
      %add3A_88 = arith.addf %broadcast_in_dim3A_11, %slice3A_87 : vector<1024x128xf32>
      %slice3A_89 = vector.extract_strided_slice %get3A_14 {offsets = [0, 768], sizes = [1, 128], strides = [1, 1]} : vector<1x2048xf32> to vector<1x128xf32>
      %broadcast_in_dim3A_90 = vector.shape_cast %slice3A_89 : vector<1x128xf32> to vector<1x128xf32>
      %broadcast_in_dim3A_91 = vector.broadcast %broadcast_in_dim3A_90 : vector<1x128xf32> to vector<1024x128xf32>
      %add3A_92 = arith.addf %add3A_88, %broadcast_in_dim3A_91 : vector<1024x128xf32>
      %mul3A_93 = arith.constant 16 : i32
      %mul3A_94 = arith.muli %arg1, %mul3A_93 : i32
      %add3A_95 = arith.constant 6 : i32
      %add3A_96 = arith.addi %mul3A_94, %add3A_95 : i32
      %broadcast_in_dim3A_97 = vector.broadcast %add3A_96 : i32 to vector<1024x128xi32>
      %slice3A_98 = vector.extract_strided_slice %dot_general3A_7 {offsets = [0, 896], sizes = [1024, 128], strides = [1, 1]} : vector<1024x2048xf32> to vector<1024x128xf32>
      %add3A_99 = arith.addf %broadcast_in_dim3A_11, %slice3A_98 : vector<1024x128xf32>
      %slice3A_100 = vector.extract_strided_slice %get3A_14 {offsets = [0, 896], sizes = [1, 128], strides = [1, 1]} : vector<1x2048xf32> to vector<1x128xf32>
      %broadcast_in_dim3A_101 = vector.shape_cast %slice3A_100 : vector<1x128xf32> to vector<1x128xf32>
      %broadcast_in_dim3A_102 = vector.broadcast %broadcast_in_dim3A_101 : vector<1x128xf32> to vector<1024x128xf32>
      %add3A_103 = arith.addf %add3A_99, %broadcast_in_dim3A_102 : vector<1024x128xf32>
      %mul3A_104 = arith.constant 16 : i32
      %mul3A_105 = arith.muli %arg1, %mul3A_104 : i32
      %add3A_106 = arith.constant 7 : i32
      %add3A_107 = arith.addi %mul3A_105, %add3A_106 : i32
      %broadcast_in_dim3A_108 = vector.broadcast %add3A_107 : i32 to vector<1024x128xi32>
      %slice3A_109 = vector.extract_strided_slice %dot_general3A_7 {offsets = [0, 1024], sizes = [1024, 128], strides = [1, 1]} : vector<1024x2048xf32> to vector<1024x128xf32>
      %add3A_110 = arith.addf %broadcast_in_dim3A_11, %slice3A_109 : vector<1024x128xf32>
      %slice3A_111 = vector.extract_strided_slice %get3A_14 {offsets = [0, 1024], sizes = [1, 128], strides = [1, 1]} : vector<1x2048xf32> to vector<1x128xf32>
      %broadcast_in_dim3A_112 = vector.shape_cast %slice3A_111 : vector<1x128xf32> to vector<1x128xf32>
      %broadcast_in_dim3A_113 = vector.broadcast %broadcast_in_dim3A_112 : vector<1x128xf32> to vector<1024x128xf32>
      %add3A_114 = arith.addf %add3A_110, %broadcast_in_dim3A_113 : vector<1024x128xf32>
      %mul3A_115 = arith.constant 16 : i32
      %mul3A_116 = arith.muli %arg1, %mul3A_115 : i32
      %add3A_117 = arith.constant 8 : i32
      %add3A_118 = arith.addi %mul3A_116, %add3A_117 : i32
      %broadcast_in_dim3A_119 = vector.broadcast %add3A_118 : i32 to vector<1024x128xi32>
      %slice3A_120 = vector.extract_strided_slice %dot_general3A_7 {offsets = [0, 1152], sizes = [1024, 128], strides = [1, 1]} : vector<1024x2048xf32> to vector<1024x128xf32>
      %add3A_121 = arith.addf %broadcast_in_dim3A_11, %slice3A_120 : vector<1024x128xf32>
      %slice3A_122 = vector.extract_strided_slice %get3A_14 {offsets = [0, 1152], sizes = [1, 128], strides = [1, 1]} : vector<1x2048xf32> to vector<1x128xf32>
      %broadcast_in_dim3A_123 = vector.shape_cast %slice3A_122 : vector<1x128xf32> to vector<1x128xf32>
      %broadcast_in_dim3A_124 = vector.broadcast %broadcast_in_dim3A_123 : vector<1x128xf32> to vector<1024x128xf32>
      %add3A_125 = arith.addf %add3A_121, %broadcast_in_dim3A_124 : vector<1024x128xf32>
      %mul3A_126 = arith.constant 16 : i32
      %mul3A_127 = arith.muli %arg1, %mul3A_126 : i32
      %add3A_128 = arith.constant 9 : i32
      %add3A_129 = arith.addi %mul3A_127, %add3A_128 : i32
      %broadcast_in_dim3A_130 = vector.broadcast %add3A_129 : i32 to vector<1024x128xi32>
      %slice3A_131 = vector.extract_strided_slice %dot_general3A_7 {offsets = [0, 1280], sizes = [1024, 128], strides = [1, 1]} : vector<1024x2048xf32> to vector<1024x128xf32>
      %add3A_132 = arith.addf %broadcast_in_dim3A_11, %slice3A_131 : vector<1024x128xf32>
      %slice3A_133 = vector.extract_strided_slice %get3A_14 {offsets = [0, 1280], sizes = [1, 128], strides = [1, 1]} : vector<1x2048xf32> to vector<1x128xf32>
      %broadcast_in_dim3A_134 = vector.shape_cast %slice3A_133 : vector<1x128xf32> to vector<1x128xf32>
      %broadcast_in_dim3A_135 = vector.broadcast %broadcast_in_dim3A_134 : vector<1x128xf32> to vector<1024x128xf32>
      %add3A_136 = arith.addf %add3A_132, %broadcast_in_dim3A_135 : vector<1024x128xf32>
      %mul3A_137 = arith.constant 16 : i32
      %mul3A_138 = arith.muli %arg1, %mul3A_137 : i32
      %add3A_139 = arith.constant 10 : i32
      %add3A_140 = arith.addi %mul3A_138, %add3A_139 : i32
      %broadcast_in_dim3A_141 = vector.broadcast %add3A_140 : i32 to vector<1024x128xi32>
      %slice3A_142 = vector.extract_strided_slice %dot_general3A_7 {offsets = [0, 1408], sizes = [1024, 128], strides = [1, 1]} : vector<1024x2048xf32> to vector<1024x128xf32>
      %add3A_143 = arith.addf %broadcast_in_dim3A_11, %slice3A_142 : vector<1024x128xf32>
      %slice3A_144 = vector.extract_strided_slice %get3A_14 {offsets = [0, 1408], sizes = [1, 128], strides = [1, 1]} : vector<1x2048xf32> to vector<1x128xf32>
      %broadcast_in_dim3A_145 = vector.shape_cast %slice3A_144 : vector<1x128xf32> to vector<1x128xf32>
      %broadcast_in_dim3A_146 = vector.broadcast %broadcast_in_dim3A_145 : vector<1x128xf32> to vector<1024x128xf32>
      %add3A_147 = arith.addf %add3A_143, %broadcast_in_dim3A_146 : vector<1024x128xf32>
      %mul3A_148 = arith.constant 16 : i32
      %mul3A_149 = arith.muli %arg1, %mul3A_148 : i32
      %add3A_150 = arith.constant 11 : i32
      %add3A_151 = arith.addi %mul3A_149, %add3A_150 : i32
      %broadcast_in_dim3A_152 = vector.broadcast %add3A_151 : i32 to vector<1024x128xi32>
      %slice3A_153 = vector.extract_strided_slice %dot_general3A_7 {offsets = [0, 1536], sizes = [1024, 128], strides = [1, 1]} : vector<1024x2048xf32> to vector<1024x128xf32>
      %add3A_154 = arith.addf %broadcast_in_dim3A_11, %slice3A_153 : vector<1024x128xf32>
      %slice3A_155 = vector.extract_strided_slice %get3A_14 {offsets = [0, 1536], sizes = [1, 128], strides = [1, 1]} : vector<1x2048xf32> to vector<1x128xf32>
      %broadcast_in_dim3A_156 = vector.shape_cast %slice3A_155 : vector<1x128xf32> to vector<1x128xf32>
      %broadcast_in_dim3A_157 = vector.broadcast %broadcast_in_dim3A_156 : vector<1x128xf32> to vector<1024x128xf32>
      %add3A_158 = arith.addf %add3A_154, %broadcast_in_dim3A_157 : vector<1024x128xf32>
      %mul3A_159 = arith.constant 16 : i32
      %mul3A_160 = arith.muli %arg1, %mul3A_159 : i32
      %add3A_161 = arith.constant 12 : i32
      %add3A_162 = arith.addi %mul3A_160, %add3A_161 : i32
      %broadcast_in_dim3A_163 = vector.broadcast %add3A_162 : i32 to vector<1024x128xi32>
      %slice3A_164 = vector.extract_strided_slice %dot_general3A_7 {offsets = [0, 1664], sizes = [1024, 128], strides = [1, 1]} : vector<1024x2048xf32> to vector<1024x128xf32>
      %add3A_165 = arith.addf %broadcast_in_dim3A_11, %slice3A_164 : vector<1024x128xf32>
      %slice3A_166 = vector.extract_strided_slice %get3A_14 {offsets = [0, 1664], sizes = [1, 128], strides = [1, 1]} : vector<1x2048xf32> to vector<1x128xf32>
      %broadcast_in_dim3A_167 = vector.shape_cast %slice3A_166 : vector<1x128xf32> to vector<1x128xf32>
      %broadcast_in_dim3A_168 = vector.broadcast %broadcast_in_dim3A_167 : vector<1x128xf32> to vector<1024x128xf32>
      %add3A_169 = arith.addf %add3A_165, %broadcast_in_dim3A_168 : vector<1024x128xf32>
      %mul3A_170 = arith.constant 16 : i32
      %mul3A_171 = arith.muli %arg1, %mul3A_170 : i32
      %add3A_172 = arith.constant 13 : i32
      %add3A_173 = arith.addi %mul3A_171, %add3A_172 : i32
      %broadcast_in_dim3A_174 = vector.broadcast %add3A_173 : i32 to vector<1024x128xi32>
      %slice3A_175 = vector.extract_strided_slice %dot_general3A_7 {offsets = [0, 1792], sizes = [1024, 128], strides = [1, 1]} : vector<1024x2048xf32> to vector<1024x128xf32>
      %add3A_176 = arith.addf %broadcast_in_dim3A_11, %slice3A_175 : vector<1024x128xf32>
      %slice3A_177 = vector.extract_strided_slice %get3A_14 {offsets = [0, 1792], sizes = [1, 128], strides = [1, 1]} : vector<1x2048xf32> to vector<1x128xf32>
      %broadcast_in_dim3A_178 = vector.shape_cast %slice3A_177 : vector<1x128xf32> to vector<1x128xf32>
      %broadcast_in_dim3A_179 = vector.broadcast %broadcast_in_dim3A_178 : vector<1x128xf32> to vector<1024x128xf32>
      %add3A_180 = arith.addf %add3A_176, %broadcast_in_dim3A_179 : vector<1024x128xf32>
      %mul3A_181 = arith.constant 16 : i32
      %mul3A_182 = arith.muli %arg1, %mul3A_181 : i32
      %add3A_183 = arith.constant 14 : i32
      %add3A_184 = arith.addi %mul3A_182, %add3A_183 : i32
      %broadcast_in_dim3A_185 = vector.broadcast %add3A_184 : i32 to vector<1024x128xi32>
      %slice3A_186 = vector.extract_strided_slice %dot_general3A_7 {offsets = [0, 1920], sizes = [1024, 128], strides = [1, 1]} : vector<1024x2048xf32> to vector<1024x128xf32>
      %add3A_187 = arith.addf %broadcast_in_dim3A_11, %slice3A_186 : vector<1024x128xf32>
      %slice3A_188 = vector.extract_strided_slice %get3A_14 {offsets = [0, 1920], sizes = [1, 128], strides = [1, 1]} : vector<1x2048xf32> to vector<1x128xf32>
      %broadcast_in_dim3A_189 = vector.shape_cast %slice3A_188 : vector<1x128xf32> to vector<1x128xf32>
      %broadcast_in_dim3A_190 = vector.broadcast %broadcast_in_dim3A_189 : vector<1x128xf32> to vector<1024x128xf32>
      %add3A_191 = arith.addf %add3A_187, %broadcast_in_dim3A_190 : vector<1024x128xf32>
      %mul3A_192 = arith.constant 16 : i32
      %mul3A_193 = arith.muli %arg1, %mul3A_192 : i32
      %add3A_194 = arith.constant 15 : i32
      %add3A_195 = arith.addi %mul3A_193, %add3A_194 : i32
      %broadcast_in_dim3A_196 = vector.broadcast %add3A_195 : i32 to vector<1024x128xi32>
      %lt3A = arith.cmpf olt, %add3A_48, %add3A_37 : vector<1024x128xf32>
      %select_n3A = arith.select %lt3A, %add3A_48, %add3A_37 : vector<1024x128xi1>, vector<1024x128xf32>
      %select_n3A_197 = arith.select %lt3A, %broadcast_in_dim3A_53, %broadcast_in_dim3A_42 : vector<1024x128xi1>, vector<1024x128xi32>
      %lt3A_198 = arith.cmpf olt, %add3A_70, %add3A_59 : vector<1024x128xf32>
      %select_n3A_199 = arith.select %lt3A_198, %add3A_70, %add3A_59 : vector<1024x128xi1>, vector<1024x128xf32>
      %select_n3A_200 = arith.select %lt3A_198, %broadcast_in_dim3A_75, %broadcast_in_dim3A_64 : vector<1024x128xi1>, vector<1024x128xi32>
      %lt3A_201 = arith.cmpf olt, %add3A_92, %add3A_81 : vector<1024x128xf32>
      %select_n3A_202 = arith.select %lt3A_201, %add3A_92, %add3A_81 : vector<1024x128xi1>, vector<1024x128xf32>
      %select_n3A_203 = arith.select %lt3A_201, %broadcast_in_dim3A_97, %broadcast_in_dim3A_86 : vector<1024x128xi1>, vector<1024x128xi32>
      %lt3A_204 = arith.cmpf olt, %add3A_114, %add3A_103 : vector<1024x128xf32>
      %select_n3A_205 = arith.select %lt3A_204, %add3A_114, %add3A_103 : vector<1024x128xi1>, vector<1024x128xf32>
      %select_n3A_206 = arith.select %lt3A_204, %broadcast_in_dim3A_119, %broadcast_in_dim3A_108 : vector<1024x128xi1>, vector<1024x128xi32>
      %lt3A_207 = arith.cmpf olt, %add3A_136, %add3A_125 : vector<1024x128xf32>
      %select_n3A_208 = arith.select %lt3A_207, %add3A_136, %add3A_125 : vector<1024x128xi1>, vector<1024x128xf32>
      %select_n3A_209 = arith.select %lt3A_207, %broadcast_in_dim3A_141, %broadcast_in_dim3A_130 : vector<1024x128xi1>, vector<1024x128xi32>
      %lt3A_210 = arith.cmpf olt, %add3A_158, %add3A_147 : vector<1024x128xf32>
      %select_n3A_211 = arith.select %lt3A_210, %add3A_158, %add3A_147 : vector<1024x128xi1>, vector<1024x128xf32>
      %select_n3A_212 = arith.select %lt3A_210, %broadcast_in_dim3A_163, %broadcast_in_dim3A_152 : vector<1024x128xi1>, vector<1024x128xi32>
      %lt3A_213 = arith.cmpf olt, %add3A_180, %add3A_169 : vector<1024x128xf32>
      %select_n3A_214 = arith.select %lt3A_213, %add3A_180, %add3A_169 : vector<1024x128xi1>, vector<1024x128xf32>
      %select_n3A_215 = arith.select %lt3A_213, %broadcast_in_dim3A_185, %broadcast_in_dim3A_174 : vector<1024x128xi1>, vector<1024x128xi32>
      %lt3A_216 = arith.cmpf olt, %select_n3A_199, %select_n3A : vector<1024x128xf32>
      %select_n3A_217 = arith.select %lt3A_216, %select_n3A_199, %select_n3A : vector<1024x128xi1>, vector<1024x128xf32>
      %select_n3A_218 = arith.select %lt3A_216, %select_n3A_200, %select_n3A_197 : vector<1024x128xi1>, vector<1024x128xi32>
      %lt3A_219 = arith.cmpf olt, %select_n3A_205, %select_n3A_202 : vector<1024x128xf32>
      %select_n3A_220 = arith.select %lt3A_219, %select_n3A_205, %select_n3A_202 : vector<1024x128xi1>, vector<1024x128xf32>
      %select_n3A_221 = arith.select %lt3A_219, %select_n3A_206, %select_n3A_203 : vector<1024x128xi1>, vector<1024x128xi32>
      %lt3A_222 = arith.cmpf olt, %select_n3A_211, %select_n3A_208 : vector<1024x128xf32>
      %select_n3A_223 = arith.select %lt3A_222, %select_n3A_211, %select_n3A_208 : vector<1024x128xi1>, vector<1024x128xf32>
      %select_n3A_224 = arith.select %lt3A_222, %select_n3A_212, %select_n3A_209 : vector<1024x128xi1>, vector<1024x128xi32>
      %lt3A_225 = arith.cmpf olt, %add3A_191, %select_n3A_214 : vector<1024x128xf32>
      %select_n3A_226 = arith.select %lt3A_225, %add3A_191, %select_n3A_214 : vector<1024x128xi1>, vector<1024x128xf32>
      %select_n3A_227 = arith.select %lt3A_225, %broadcast_in_dim3A_196, %select_n3A_215 : vector<1024x128xi1>, vector<1024x128xi32>
      %lt3A_228 = arith.cmpf olt, %select_n3A_220, %select_n3A_217 : vector<1024x128xf32>
      %select_n3A_229 = arith.select %lt3A_228, %select_n3A_220, %select_n3A_217 : vector<1024x128xi1>, vector<1024x128xf32>
      %select_n3A_230 = arith.select %lt3A_228, %select_n3A_221, %select_n3A_218 : vector<1024x128xi1>, vector<1024x128xi32>
      %lt3A_231 = arith.cmpf olt, %select_n3A_226, %select_n3A_223 : vector<1024x128xf32>
      %select_n3A_232 = arith.select %lt3A_231, %select_n3A_226, %select_n3A_223 : vector<1024x128xi1>, vector<1024x128xf32>
      %select_n3A_233 = arith.select %lt3A_231, %select_n3A_227, %select_n3A_224 : vector<1024x128xi1>, vector<1024x128xi32>
      %lt3A_234 = arith.cmpf olt, %select_n3A_232, %select_n3A_229 : vector<1024x128xf32>
      %select_n3A_235 = arith.select %lt3A_234, %select_n3A_232, %select_n3A_229 : vector<1024x128xi1>, vector<1024x128xf32>
      %select_n3A_236 = arith.select %lt3A_234, %select_n3A_233, %select_n3A_230 : vector<1024x128xi1>, vector<1024x128xi32>
      %lt3A_237 = arith.cmpf olt, %select_n3A_235, %add3A_29 : vector<1024x128xf32>
      %select_n3A_238 = arith.select %lt3A_237, %select_n3A_235, %add3A_29 : vector<1024x128xi1>, vector<1024x128xf32>
      %select_n3A_239 = arith.select %lt3A_237, %select_n3A_236, %broadcast_in_dim3A_31 : vector<1024x128xi1>, vector<1024x128xi32>
      %swap3A = arith.constant 0 : index
      %swap3A_240 = arith.constant 0 : index
      %swap3A_241 = vector.load %arg8[%swap3A, %swap3A_240] : memref<1024x128xf32, #tpu.memory_space<vmem>>, vector<1024x128xf32>
      tpu.vector_store %arg8[%swap3A, %swap3A_240], %select_n3A_238 {strides = array<i32>} : memref<1024x128xf32, #tpu.memory_space<vmem>>, vector<1024x128xf32>,
      %swap3A_242 = arith.constant 0 : index
      %swap3A_243 = arith.constant 0 : index
      %swap3A_244 = vector.load %arg9[%swap3A_242, %swap3A_243] : memref<1024x128xi32, #tpu.memory_space<vmem>>, vector<1024x128xi32>
      tpu.vector_store %arg9[%swap3A_242, %swap3A_243], %select_n3A_239 {strides = array<i32>} : memref<1024x128xi32, #tpu.memory_space<vmem>>, vector<1024x128xi32>,
    } else {
    }
    %gt3A = arith.constant 0 : i32
    %gt3A_17 = arith.cmpi sgt, %arg1, %gt3A : i32
    %convert_element_type3A_18 = arith.extui %gt3A_17 : i1 to i32
    %cond3A_19 = arith.constant 0 : i32
    %cond3A_20 = arith.cmpi ne, %convert_element_type3A_18, %cond3A_19 : i32
    scf.if %cond3A_20 {
      %get3A_26 = arith.constant 0 : index
      %get3A_27 = arith.constant 0 : index
      %get3A_28 = vector.load %arg8[%get3A_26, %get3A_27] : memref<1024x128xf32, #tpu.memory_space<vmem>>, vector<1024x128xf32>
      %get3A_29 = arith.constant 0 : index
      %get3A_30 = arith.constant 0 : index
      %get3A_31 = vector.load %arg9[%get3A_29, %get3A_30] : memref<1024x128xi32, #tpu.memory_space<vmem>>, vector<1024x128xi32>
      %slice3A = vector.extract_strided_slice %dot_general3A_7 {offsets = [0, 0], sizes = [1024, 128], strides = [1, 1]} : vector<1024x2048xf32> to vector<1024x128xf32>
      %add3A = arith.addf %broadcast_in_dim3A_11, %slice3A : vector<1024x128xf32>
      %slice3A_32 = vector.extract_strided_slice %get3A_14 {offsets = [0, 0], sizes = [1, 128], strides = [1, 1]} : vector<1x2048xf32> to vector<1x128xf32>
      %broadcast_in_dim3A_33 = vector.shape_cast %slice3A_32 : vector<1x128xf32> to vector<1x128xf32>
      %broadcast_in_dim3A_34 = vector.broadcast %broadcast_in_dim3A_33 : vector<1x128xf32> to vector<1024x128xf32>
      %add3A_35 = arith.addf %add3A, %broadcast_in_dim3A_34 : vector<1024x128xf32>
      %mul3A_36 = arith.constant 16 : i32
      %mul3A_37 = arith.muli %arg1, %mul3A_36 : i32
      %add3A_38 = arith.constant 0 : i32
      %add3A_39 = arith.addi %mul3A_37, %add3A_38 : i32
      %broadcast_in_dim3A_40 = vector.broadcast %add3A_39 : i32 to vector<1024x128xi32>
      %slice3A_41 = vector.extract_strided_slice %dot_general3A_7 {offsets = [0, 128], sizes = [1024, 128], strides = [1, 1]} : vector<1024x2048xf32> to vector<1024x128xf32>
      %add3A_42 = arith.addf %broadcast_in_dim3A_11, %slice3A_41 : vector<1024x128xf32>
      %slice3A_43 = vector.extract_strided_slice %get3A_14 {offsets = [0, 128], sizes = [1, 128], strides = [1, 1]} : vector<1x2048xf32> to vector<1x128xf32>
      %broadcast_in_dim3A_44 = vector.shape_cast %slice3A_43 : vector<1x128xf32> to vector<1x128xf32>
      %broadcast_in_dim3A_45 = vector.broadcast %broadcast_in_dim3A_44 : vector<1x128xf32> to vector<1024x128xf32>
      %add3A_46 = arith.addf %add3A_42, %broadcast_in_dim3A_45 : vector<1024x128xf32>
      %mul3A_47 = arith.constant 16 : i32
      %mul3A_48 = arith.muli %arg1, %mul3A_47 : i32
      %add3A_49 = arith.constant 1 : i32
      %add3A_50 = arith.addi %mul3A_48, %add3A_49 : i32
      %broadcast_in_dim3A_51 = vector.broadcast %add3A_50 : i32 to vector<1024x128xi32>
      %slice3A_52 = vector.extract_strided_slice %dot_general3A_7 {offsets = [0, 256], sizes = [1024, 128], strides = [1, 1]} : vector<1024x2048xf32> to vector<1024x128xf32>
      %add3A_53 = arith.addf %broadcast_in_dim3A_11, %slice3A_52 : vector<1024x128xf32>
      %slice3A_54 = vector.extract_strided_slice %get3A_14 {offsets = [0, 256], sizes = [1, 128], strides = [1, 1]} : vector<1x2048xf32> to vector<1x128xf32>
      %broadcast_in_dim3A_55 = vector.shape_cast %slice3A_54 : vector<1x128xf32> to vector<1x128xf32>
      %broadcast_in_dim3A_56 = vector.broadcast %broadcast_in_dim3A_55 : vector<1x128xf32> to vector<1024x128xf32>
      %add3A_57 = arith.addf %add3A_53, %broadcast_in_dim3A_56 : vector<1024x128xf32>
      %mul3A_58 = arith.constant 16 : i32
      %mul3A_59 = arith.muli %arg1, %mul3A_58 : i32
      %add3A_60 = arith.constant 2 : i32
      %add3A_61 = arith.addi %mul3A_59, %add3A_60 : i32
      %broadcast_in_dim3A_62 = vector.broadcast %add3A_61 : i32 to vector<1024x128xi32>
      %slice3A_63 = vector.extract_strided_slice %dot_general3A_7 {offsets = [0, 384], sizes = [1024, 128], strides = [1, 1]} : vector<1024x2048xf32> to vector<1024x128xf32>
      %add3A_64 = arith.addf %broadcast_in_dim3A_11, %slice3A_63 : vector<1024x128xf32>
      %slice3A_65 = vector.extract_strided_slice %get3A_14 {offsets = [0, 384], sizes = [1, 128], strides = [1, 1]} : vector<1x2048xf32> to vector<1x128xf32>
      %broadcast_in_dim3A_66 = vector.shape_cast %slice3A_65 : vector<1x128xf32> to vector<1x128xf32>
      %broadcast_in_dim3A_67 = vector.broadcast %broadcast_in_dim3A_66 : vector<1x128xf32> to vector<1024x128xf32>
      %add3A_68 = arith.addf %add3A_64, %broadcast_in_dim3A_67 : vector<1024x128xf32>
      %mul3A_69 = arith.constant 16 : i32
      %mul3A_70 = arith.muli %arg1, %mul3A_69 : i32
      %add3A_71 = arith.constant 3 : i32
      %add3A_72 = arith.addi %mul3A_70, %add3A_71 : i32
      %broadcast_in_dim3A_73 = vector.broadcast %add3A_72 : i32 to vector<1024x128xi32>
      %slice3A_74 = vector.extract_strided_slice %dot_general3A_7 {offsets = [0, 512], sizes = [1024, 128], strides = [1, 1]} : vector<1024x2048xf32> to vector<1024x128xf32>
      %add3A_75 = arith.addf %broadcast_in_dim3A_11, %slice3A_74 : vector<1024x128xf32>
      %slice3A_76 = vector.extract_strided_slice %get3A_14 {offsets = [0, 512], sizes = [1, 128], strides = [1, 1]} : vector<1x2048xf32> to vector<1x128xf32>
      %broadcast_in_dim3A_77 = vector.shape_cast %slice3A_76 : vector<1x128xf32> to vector<1x128xf32>
      %broadcast_in_dim3A_78 = vector.broadcast %broadcast_in_dim3A_77 : vector<1x128xf32> to vector<1024x128xf32>
      %add3A_79 = arith.addf %add3A_75, %broadcast_in_dim3A_78 : vector<1024x128xf32>
      %mul3A_80 = arith.constant 16 : i32
      %mul3A_81 = arith.muli %arg1, %mul3A_80 : i32
      %add3A_82 = arith.constant 4 : i32
      %add3A_83 = arith.addi %mul3A_81, %add3A_82 : i32
      %broadcast_in_dim3A_84 = vector.broadcast %add3A_83 : i32 to vector<1024x128xi32>
      %slice3A_85 = vector.extract_strided_slice %dot_general3A_7 {offsets = [0, 640], sizes = [1024, 128], strides = [1, 1]} : vector<1024x2048xf32> to vector<1024x128xf32>
      %add3A_86 = arith.addf %broadcast_in_dim3A_11, %slice3A_85 : vector<1024x128xf32>
      %slice3A_87 = vector.extract_strided_slice %get3A_14 {offsets = [0, 640], sizes = [1, 128], strides = [1, 1]} : vector<1x2048xf32> to vector<1x128xf32>
      %broadcast_in_dim3A_88 = vector.shape_cast %slice3A_87 : vector<1x128xf32> to vector<1x128xf32>
      %broadcast_in_dim3A_89 = vector.broadcast %broadcast_in_dim3A_88 : vector<1x128xf32> to vector<1024x128xf32>
      %add3A_90 = arith.addf %add3A_86, %broadcast_in_dim3A_89 : vector<1024x128xf32>
      %mul3A_91 = arith.constant 16 : i32
      %mul3A_92 = arith.muli %arg1, %mul3A_91 : i32
      %add3A_93 = arith.constant 5 : i32
      %add3A_94 = arith.addi %mul3A_92, %add3A_93 : i32
      %broadcast_in_dim3A_95 = vector.broadcast %add3A_94 : i32 to vector<1024x128xi32>
      %slice3A_96 = vector.extract_strided_slice %dot_general3A_7 {offsets = [0, 768], sizes = [1024, 128], strides = [1, 1]} : vector<1024x2048xf32> to vector<1024x128xf32>
      %add3A_97 = arith.addf %broadcast_in_dim3A_11, %slice3A_96 : vector<1024x128xf32>
      %slice3A_98 = vector.extract_strided_slice %get3A_14 {offsets = [0, 768], sizes = [1, 128], strides = [1, 1]} : vector<1x2048xf32> to vector<1x128xf32>
      %broadcast_in_dim3A_99 = vector.shape_cast %slice3A_98 : vector<1x128xf32> to vector<1x128xf32>
      %broadcast_in_dim3A_100 = vector.broadcast %broadcast_in_dim3A_99 : vector<1x128xf32> to vector<1024x128xf32>
      %add3A_101 = arith.addf %add3A_97, %broadcast_in_dim3A_100 : vector<1024x128xf32>
      %mul3A_102 = arith.constant 16 : i32
      %mul3A_103 = arith.muli %arg1, %mul3A_102 : i32
      %add3A_104 = arith.constant 6 : i32
      %add3A_105 = arith.addi %mul3A_103, %add3A_104 : i32
      %broadcast_in_dim3A_106 = vector.broadcast %add3A_105 : i32 to vector<1024x128xi32>
      %slice3A_107 = vector.extract_strided_slice %dot_general3A_7 {offsets = [0, 896], sizes = [1024, 128], strides = [1, 1]} : vector<1024x2048xf32> to vector<1024x128xf32>
      %add3A_108 = arith.addf %broadcast_in_dim3A_11, %slice3A_107 : vector<1024x128xf32>
      %slice3A_109 = vector.extract_strided_slice %get3A_14 {offsets = [0, 896], sizes = [1, 128], strides = [1, 1]} : vector<1x2048xf32> to vector<1x128xf32>
      %broadcast_in_dim3A_110 = vector.shape_cast %slice3A_109 : vector<1x128xf32> to vector<1x128xf32>
      %broadcast_in_dim3A_111 = vector.broadcast %broadcast_in_dim3A_110 : vector<1x128xf32> to vector<1024x128xf32>
      %add3A_112 = arith.addf %add3A_108, %broadcast_in_dim3A_111 : vector<1024x128xf32>
      %mul3A_113 = arith.constant 16 : i32
      %mul3A_114 = arith.muli %arg1, %mul3A_113 : i32
      %add3A_115 = arith.constant 7 : i32
      %add3A_116 = arith.addi %mul3A_114, %add3A_115 : i32
      %broadcast_in_dim3A_117 = vector.broadcast %add3A_116 : i32 to vector<1024x128xi32>
      %slice3A_118 = vector.extract_strided_slice %dot_general3A_7 {offsets = [0, 1024], sizes = [1024, 128], strides = [1, 1]} : vector<1024x2048xf32> to vector<1024x128xf32>
      %add3A_119 = arith.addf %broadcast_in_dim3A_11, %slice3A_118 : vector<1024x128xf32>
      %slice3A_120 = vector.extract_strided_slice %get3A_14 {offsets = [0, 1024], sizes = [1, 128], strides = [1, 1]} : vector<1x2048xf32> to vector<1x128xf32>
      %broadcast_in_dim3A_121 = vector.shape_cast %slice3A_120 : vector<1x128xf32> to vector<1x128xf32>
      %broadcast_in_dim3A_122 = vector.broadcast %broadcast_in_dim3A_121 : vector<1x128xf32> to vector<1024x128xf32>
      %add3A_123 = arith.addf %add3A_119, %broadcast_in_dim3A_122 : vector<1024x128xf32>
      %mul3A_124 = arith.constant 16 : i32
      %mul3A_125 = arith.muli %arg1, %mul3A_124 : i32
      %add3A_126 = arith.constant 8 : i32
      %add3A_127 = arith.addi %mul3A_125, %add3A_126 : i32
      %broadcast_in_dim3A_128 = vector.broadcast %add3A_127 : i32 to vector<1024x128xi32>
      %slice3A_129 = vector.extract_strided_slice %dot_general3A_7 {offsets = [0, 1152], sizes = [1024, 128], strides = [1, 1]} : vector<1024x2048xf32> to vector<1024x128xf32>
      %add3A_130 = arith.addf %broadcast_in_dim3A_11, %slice3A_129 : vector<1024x128xf32>
      %slice3A_131 = vector.extract_strided_slice %get3A_14 {offsets = [0, 1152], sizes = [1, 128], strides = [1, 1]} : vector<1x2048xf32> to vector<1x128xf32>
      %broadcast_in_dim3A_132 = vector.shape_cast %slice3A_131 : vector<1x128xf32> to vector<1x128xf32>
      %broadcast_in_dim3A_133 = vector.broadcast %broadcast_in_dim3A_132 : vector<1x128xf32> to vector<1024x128xf32>
      %add3A_134 = arith.addf %add3A_130, %broadcast_in_dim3A_133 : vector<1024x128xf32>
      %mul3A_135 = arith.constant 16 : i32
      %mul3A_136 = arith.muli %arg1, %mul3A_135 : i32
      %add3A_137 = arith.constant 9 : i32
      %add3A_138 = arith.addi %mul3A_136, %add3A_137 : i32
      %broadcast_in_dim3A_139 = vector.broadcast %add3A_138 : i32 to vector<1024x128xi32>
      %slice3A_140 = vector.extract_strided_slice %dot_general3A_7 {offsets = [0, 1280], sizes = [1024, 128], strides = [1, 1]} : vector<1024x2048xf32> to vector<1024x128xf32>
      %add3A_141 = arith.addf %broadcast_in_dim3A_11, %slice3A_140 : vector<1024x128xf32>
      %slice3A_142 = vector.extract_strided_slice %get3A_14 {offsets = [0, 1280], sizes = [1, 128], strides = [1, 1]} : vector<1x2048xf32> to vector<1x128xf32>
      %broadcast_in_dim3A_143 = vector.shape_cast %slice3A_142 : vector<1x128xf32> to vector<1x128xf32>
      %broadcast_in_dim3A_144 = vector.broadcast %broadcast_in_dim3A_143 : vector<1x128xf32> to vector<1024x128xf32>
      %add3A_145 = arith.addf %add3A_141, %broadcast_in_dim3A_144 : vector<1024x128xf32>
      %mul3A_146 = arith.constant 16 : i32
      %mul3A_147 = arith.muli %arg1, %mul3A_146 : i32
      %add3A_148 = arith.constant 10 : i32
      %add3A_149 = arith.addi %mul3A_147, %add3A_148 : i32
      %broadcast_in_dim3A_150 = vector.broadcast %add3A_149 : i32 to vector<1024x128xi32>
      %slice3A_151 = vector.extract_strided_slice %dot_general3A_7 {offsets = [0, 1408], sizes = [1024, 128], strides = [1, 1]} : vector<1024x2048xf32> to vector<1024x128xf32>
      %add3A_152 = arith.addf %broadcast_in_dim3A_11, %slice3A_151 : vector<1024x128xf32>
      %slice3A_153 = vector.extract_strided_slice %get3A_14 {offsets = [0, 1408], sizes = [1, 128], strides = [1, 1]} : vector<1x2048xf32> to vector<1x128xf32>
      %broadcast_in_dim3A_154 = vector.shape_cast %slice3A_153 : vector<1x128xf32> to vector<1x128xf32>
      %broadcast_in_dim3A_155 = vector.broadcast %broadcast_in_dim3A_154 : vector<1x128xf32> to vector<1024x128xf32>
      %add3A_156 = arith.addf %add3A_152, %broadcast_in_dim3A_155 : vector<1024x128xf32>
      %mul3A_157 = arith.constant 16 : i32
      %mul3A_158 = arith.muli %arg1, %mul3A_157 : i32
      %add3A_159 = arith.constant 11 : i32
      %add3A_160 = arith.addi %mul3A_158, %add3A_159 : i32
      %broadcast_in_dim3A_161 = vector.broadcast %add3A_160 : i32 to vector<1024x128xi32>
      %slice3A_162 = vector.extract_strided_slice %dot_general3A_7 {offsets = [0, 1536], sizes = [1024, 128], strides = [1, 1]} : vector<1024x2048xf32> to vector<1024x128xf32>
      %add3A_163 = arith.addf %broadcast_in_dim3A_11, %slice3A_162 : vector<1024x128xf32>
      %slice3A_164 = vector.extract_strided_slice %get3A_14 {offsets = [0, 1536], sizes = [1, 128], strides = [1, 1]} : vector<1x2048xf32> to vector<1x128xf32>
      %broadcast_in_dim3A_165 = vector.shape_cast %slice3A_164 : vector<1x128xf32> to vector<1x128xf32>
      %broadcast_in_dim3A_166 = vector.broadcast %broadcast_in_dim3A_165 : vector<1x128xf32> to vector<1024x128xf32>
      %add3A_167 = arith.addf %add3A_163, %broadcast_in_dim3A_166 : vector<1024x128xf32>
      %mul3A_168 = arith.constant 16 : i32
      %mul3A_169 = arith.muli %arg1, %mul3A_168 : i32
      %add3A_170 = arith.constant 12 : i32
      %add3A_171 = arith.addi %mul3A_169, %add3A_170 : i32
      %broadcast_in_dim3A_172 = vector.broadcast %add3A_171 : i32 to vector<1024x128xi32>
      %slice3A_173 = vector.extract_strided_slice %dot_general3A_7 {offsets = [0, 1664], sizes = [1024, 128], strides = [1, 1]} : vector<1024x2048xf32> to vector<1024x128xf32>
      %add3A_174 = arith.addf %broadcast_in_dim3A_11, %slice3A_173 : vector<1024x128xf32>
      %slice3A_175 = vector.extract_strided_slice %get3A_14 {offsets = [0, 1664], sizes = [1, 128], strides = [1, 1]} : vector<1x2048xf32> to vector<1x128xf32>
      %broadcast_in_dim3A_176 = vector.shape_cast %slice3A_175 : vector<1x128xf32> to vector<1x128xf32>
      %broadcast_in_dim3A_177 = vector.broadcast %broadcast_in_dim3A_176 : vector<1x128xf32> to vector<1024x128xf32>
      %add3A_178 = arith.addf %add3A_174, %broadcast_in_dim3A_177 : vector<1024x128xf32>
      %mul3A_179 = arith.constant 16 : i32
      %mul3A_180 = arith.muli %arg1, %mul3A_179 : i32
      %add3A_181 = arith.constant 13 : i32
      %add3A_182 = arith.addi %mul3A_180, %add3A_181 : i32
      %broadcast_in_dim3A_183 = vector.broadcast %add3A_182 : i32 to vector<1024x128xi32>
      %slice3A_184 = vector.extract_strided_slice %dot_general3A_7 {offsets = [0, 1792], sizes = [1024, 128], strides = [1, 1]} : vector<1024x2048xf32> to vector<1024x128xf32>
      %add3A_185 = arith.addf %broadcast_in_dim3A_11, %slice3A_184 : vector<1024x128xf32>
      %slice3A_186 = vector.extract_strided_slice %get3A_14 {offsets = [0, 1792], sizes = [1, 128], strides = [1, 1]} : vector<1x2048xf32> to vector<1x128xf32>
      %broadcast_in_dim3A_187 = vector.shape_cast %slice3A_186 : vector<1x128xf32> to vector<1x128xf32>
      %broadcast_in_dim3A_188 = vector.broadcast %broadcast_in_dim3A_187 : vector<1x128xf32> to vector<1024x128xf32>
      %add3A_189 = arith.addf %add3A_185, %broadcast_in_dim3A_188 : vector<1024x128xf32>
      %mul3A_190 = arith.constant 16 : i32
      %mul3A_191 = arith.muli %arg1, %mul3A_190 : i32
      %add3A_192 = arith.constant 14 : i32
      %add3A_193 = arith.addi %mul3A_191, %add3A_192 : i32
      %broadcast_in_dim3A_194 = vector.broadcast %add3A_193 : i32 to vector<1024x128xi32>
      %slice3A_195 = vector.extract_strided_slice %dot_general3A_7 {offsets = [0, 1920], sizes = [1024, 128], strides = [1, 1]} : vector<1024x2048xf32> to vector<1024x128xf32>
      %add3A_196 = arith.addf %broadcast_in_dim3A_11, %slice3A_195 : vector<1024x128xf32>
      %slice3A_197 = vector.extract_strided_slice %get3A_14 {offsets = [0, 1920], sizes = [1, 128], strides = [1, 1]} : vector<1x2048xf32> to vector<1x128xf32>
      %broadcast_in_dim3A_198 = vector.shape_cast %slice3A_197 : vector<1x128xf32> to vector<1x128xf32>
      %broadcast_in_dim3A_199 = vector.broadcast %broadcast_in_dim3A_198 : vector<1x128xf32> to vector<1024x128xf32>
      %add3A_200 = arith.addf %add3A_196, %broadcast_in_dim3A_199 : vector<1024x128xf32>
      %mul3A_201 = arith.constant 16 : i32
      %mul3A_202 = arith.muli %arg1, %mul3A_201 : i32
      %add3A_203 = arith.constant 15 : i32
      %add3A_204 = arith.addi %mul3A_202, %add3A_203 : i32
      %broadcast_in_dim3A_205 = vector.broadcast %add3A_204 : i32 to vector<1024x128xi32>
      %lt3A = arith.cmpf olt, %add3A_46, %add3A_35 : vector<1024x128xf32>
      %select_n3A = arith.select %lt3A, %add3A_46, %add3A_35 : vector<1024x128xi1>, vector<1024x128xf32>
      %select_n3A_206 = arith.select %lt3A, %broadcast_in_dim3A_51, %broadcast_in_dim3A_40 : vector<1024x128xi1>, vector<1024x128xi32>
      %lt3A_207 = arith.cmpf olt, %add3A_68, %add3A_57 : vector<1024x128xf32>
      %select_n3A_208 = arith.select %lt3A_207, %add3A_68, %add3A_57 : vector<1024x128xi1>, vector<1024x128xf32>
      %select_n3A_209 = arith.select %lt3A_207, %broadcast_in_dim3A_73, %broadcast_in_dim3A_62 : vector<1024x128xi1>, vector<1024x128xi32>
      %lt3A_210 = arith.cmpf olt, %add3A_90, %add3A_79 : vector<1024x128xf32>
      %select_n3A_211 = arith.select %lt3A_210, %add3A_90, %add3A_79 : vector<1024x128xi1>, vector<1024x128xf32>
      %select_n3A_212 = arith.select %lt3A_210, %broadcast_in_dim3A_95, %broadcast_in_dim3A_84 : vector<1024x128xi1>, vector<1024x128xi32>
      %lt3A_213 = arith.cmpf olt, %add3A_112, %add3A_101 : vector<1024x128xf32>
      %select_n3A_214 = arith.select %lt3A_213, %add3A_112, %add3A_101 : vector<1024x128xi1>, vector<1024x128xf32>
      %select_n3A_215 = arith.select %lt3A_213, %broadcast_in_dim3A_117, %broadcast_in_dim3A_106 : vector<1024x128xi1>, vector<1024x128xi32>
      %lt3A_216 = arith.cmpf olt, %add3A_134, %add3A_123 : vector<1024x128xf32>
      %select_n3A_217 = arith.select %lt3A_216, %add3A_134, %add3A_123 : vector<1024x128xi1>, vector<1024x128xf32>
      %select_n3A_218 = arith.select %lt3A_216, %broadcast_in_dim3A_139, %broadcast_in_dim3A_128 : vector<1024x128xi1>, vector<1024x128xi32>
      %lt3A_219 = arith.cmpf olt, %add3A_156, %add3A_145 : vector<1024x128xf32>
      %select_n3A_220 = arith.select %lt3A_219, %add3A_156, %add3A_145 : vector<1024x128xi1>, vector<1024x128xf32>
      %select_n3A_221 = arith.select %lt3A_219, %broadcast_in_dim3A_161, %broadcast_in_dim3A_150 : vector<1024x128xi1>, vector<1024x128xi32>
      %lt3A_222 = arith.cmpf olt, %add3A_178, %add3A_167 : vector<1024x128xf32>
      %select_n3A_223 = arith.select %lt3A_222, %add3A_178, %add3A_167 : vector<1024x128xi1>, vector<1024x128xf32>
      %select_n3A_224 = arith.select %lt3A_222, %broadcast_in_dim3A_183, %broadcast_in_dim3A_172 : vector<1024x128xi1>, vector<1024x128xi32>
      %lt3A_225 = arith.cmpf olt, %add3A_200, %add3A_189 : vector<1024x128xf32>
      %select_n3A_226 = arith.select %lt3A_225, %add3A_200, %add3A_189 : vector<1024x128xi1>, vector<1024x128xf32>
      %select_n3A_227 = arith.select %lt3A_225, %broadcast_in_dim3A_205, %broadcast_in_dim3A_194 : vector<1024x128xi1>, vector<1024x128xi32>
      %lt3A_228 = arith.cmpf olt, %select_n3A_208, %select_n3A : vector<1024x128xf32>
      %select_n3A_229 = arith.select %lt3A_228, %select_n3A_208, %select_n3A : vector<1024x128xi1>, vector<1024x128xf32>
      %select_n3A_230 = arith.select %lt3A_228, %select_n3A_209, %select_n3A_206 : vector<1024x128xi1>, vector<1024x128xi32>
      %lt3A_231 = arith.cmpf olt, %select_n3A_214, %select_n3A_211 : vector<1024x128xf32>
      %select_n3A_232 = arith.select %lt3A_231, %select_n3A_214, %select_n3A_211 : vector<1024x128xi1>, vector<1024x128xf32>
      %select_n3A_233 = arith.select %lt3A_231, %select_n3A_215, %select_n3A_212 : vector<1024x128xi1>, vector<1024x128xi32>
      %lt3A_234 = arith.cmpf olt, %select_n3A_220, %select_n3A_217 : vector<1024x128xf32>
      %select_n3A_235 = arith.select %lt3A_234, %select_n3A_220, %select_n3A_217 : vector<1024x128xi1>, vector<1024x128xf32>
      %select_n3A_236 = arith.select %lt3A_234, %select_n3A_221, %select_n3A_218 : vector<1024x128xi1>, vector<1024x128xi32>
      %lt3A_237 = arith.cmpf olt, %select_n3A_226, %select_n3A_223 : vector<1024x128xf32>
      %select_n3A_238 = arith.select %lt3A_237, %select_n3A_226, %select_n3A_223 : vector<1024x128xi1>, vector<1024x128xf32>
      %select_n3A_239 = arith.select %lt3A_237, %select_n3A_227, %select_n3A_224 : vector<1024x128xi1>, vector<1024x128xi32>
      %lt3A_240 = arith.cmpf olt, %select_n3A_232, %select_n3A_229 : vector<1024x128xf32>
      %select_n3A_241 = arith.select %lt3A_240, %select_n3A_232, %select_n3A_229 : vector<1024x128xi1>, vector<1024x128xf32>
      %select_n3A_242 = arith.select %lt3A_240, %select_n3A_233, %select_n3A_230 : vector<1024x128xi1>, vector<1024x128xi32>
      %lt3A_243 = arith.cmpf olt, %select_n3A_238, %select_n3A_235 : vector<1024x128xf32>
      %select_n3A_244 = arith.select %lt3A_243, %select_n3A_238, %select_n3A_235 : vector<1024x128xi1>, vector<1024x128xf32>
      %select_n3A_245 = arith.select %lt3A_243, %select_n3A_239, %select_n3A_236 : vector<1024x128xi1>, vector<1024x128xi32>
      %lt3A_246 = arith.cmpf olt, %select_n3A_244, %select_n3A_241 : vector<1024x128xf32>
      %select_n3A_247 = arith.select %lt3A_246, %select_n3A_244, %select_n3A_241 : vector<1024x128xi1>, vector<1024x128xf32>
      %select_n3A_248 = arith.select %lt3A_246, %select_n3A_245, %select_n3A_242 : vector<1024x128xi1>, vector<1024x128xi32>
      %lt3A_249 = arith.cmpf olt, %select_n3A_247, %get3A_28 : vector<1024x128xf32>
      %select_n3A_250 = arith.select %lt3A_249, %select_n3A_247, %get3A_28 : vector<1024x128xi1>, vector<1024x128xf32>
      %select_n3A_251 = arith.select %lt3A_249, %select_n3A_248, %get3A_31 : vector<1024x128xi1>, vector<1024x128xi32>
      %swap3A = arith.constant 0 : index
      %swap3A_252 = arith.constant 0 : index
      %swap3A_253 = vector.load %arg8[%swap3A, %swap3A_252] : memref<1024x128xf32, #tpu.memory_space<vmem>>, vector<1024x128xf32>
      tpu.vector_store %arg8[%swap3A, %swap3A_252], %select_n3A_250 {strides = array<i32>} : memref<1024x128xf32, #tpu.memory_space<vmem>>, vector<1024x128xf32>,
      %swap3A_254 = arith.constant 0 : index
      %swap3A_255 = arith.constant 0 : index
      %swap3A_256 = vector.load %arg9[%swap3A_254, %swap3A_255] : memref<1024x128xi32, #tpu.memory_space<vmem>>, vector<1024x128xi32>
      tpu.vector_store %arg9[%swap3A_254, %swap3A_255], %select_n3A_251 {strides = array<i32>} : memref<1024x128xi32, #tpu.memory_space<vmem>>, vector<1024x128xi32>,
    } else {
    }
    %eq3A_21 = arith.constant 3 : i32
    %eq3A_22 = arith.cmpi eq, %arg1, %eq3A_21 : i32
    %convert_element_type3A_23 = arith.extui %eq3A_22 : i1 to i32
    %cond3A_24 = arith.constant 0 : i32
    %cond3A_25 = arith.cmpi ne, %convert_element_type3A_23, %cond3A_24 : i32
    scf.if %cond3A_25 {
      %get3A_26 = arith.constant 0 : index
      %get3A_27 = arith.constant 0 : index
      %get3A_28 = vector.load %arg8[%get3A_26, %get3A_27] : memref<1024x128xf32, #tpu.memory_space<vmem>>, vector<1024x128xf32>
      %get3A_29 = arith.constant 0 : index
      %get3A_30 = arith.constant 0 : index
      %get3A_31 = vector.load %arg9[%get3A_29, %get3A_30] : memref<1024x128xi32, #tpu.memory_space<vmem>>, vector<1024x128xi32>
      %mul3A_32 = arith.constant 128 : i32
      %mul3A_33 = vector.broadcast %mul3A_32 : i32 to vector<1024x128xi32>
      %mul3A_34 = arith.muli %get3A_31, %mul3A_33 : vector<1024x128xi32>
      %iota3A = tpu.iota {dimensions = array<i32: 1>} : vector<1024x128xi32>
      %add3A = arith.addi %mul3A_34, %iota3A : vector<1024x128xi32>
      %reduce_min3A = arith.constant dense<0x7F800000> : vector<1024xf32>
      %reduce_min3A_35 = vector.multi_reduction <minimumf>, %get3A_28, %reduce_min3A [1] : vector<1024x128xf32> to vector<1024xf32>
      %broadcast_in_dim3A_36 = vector.shape_cast %reduce_min3A_35 : vector<1024xf32> to vector<1024x1xf32>
      %eq3A_37 = vector.broadcast %broadcast_in_dim3A_36 : vector<1024x1xf32> to vector<1024x128xf32>
      %eq3A_38 = arith.cmpf oeq, %get3A_28, %eq3A_37 : vector<1024x128xf32>
      %jit3A = arith.constant 1073741824 : i32
      %broadcast_in_dim3A_39 = vector.broadcast %jit3A : i32 to vector<1024x128xi32>
      %select_n3A = arith.select %eq3A_38, %add3A, %broadcast_in_dim3A_39 : vector<1024x128xi1>, vector<1024x128xi32>
      %reduce_min3A_40 = arith.constant dense<2147483647> : vector<1024xi32>
      %reduce_min3A_41 = vector.multi_reduction <minsi>, %select_n3A, %reduce_min3A_40 [1] : vector<1024x128xi32> to vector<1024xi32>
      %swap3A = arith.constant 0 : index
      %swap3A_42 = arith.constant 0 : index
      %swap3A_43 = arith.constant 0 : index
      %swap3A_44 = vector.load %arg7[%swap3A, %swap3A_42, %swap3A_43] : memref<1x1x1024xf32, #tpu.memory_space<vmem>>, vector<1x1x1024xf32>
      %swap3A_45 = vector.shape_cast %swap3A_44 : vector<1x1x1024xf32> to vector<1024xf32>
      %swap3A_46 = vector.shape_cast %reduce_min3A_35 : vector<1024xf32> to vector<1x1x1024xf32>
      tpu.vector_store %arg7[%swap3A, %swap3A_42, %swap3A_43], %swap3A_46 {strides = array<i32>} : memref<1x1x1024xf32, #tpu.memory_space<vmem>>, vector<1x1x1024xf32>,
      %swap3A_47 = arith.constant 0 : index
      %swap3A_48 = arith.constant 0 : index
      %swap3A_49 = arith.constant 0 : index
      %swap3A_50 = vector.load %arg6[%swap3A_47, %swap3A_48, %swap3A_49] : memref<1x1x1024xi32, #tpu.memory_space<vmem>>, vector<1x1x1024xi32>
      %swap3A_51 = vector.shape_cast %swap3A_50 : vector<1x1x1024xi32> to vector<1024xi32>
      %swap3A_52 = vector.shape_cast %reduce_min3A_41 : vector<1024xi32> to vector<1x1x1024xi32>
      tpu.vector_store %arg6[%swap3A_47, %swap3A_48, %swap3A_49], %swap3A_52 {strides = array<i32>} : memref<1x1x1024xi32, #tpu.memory_space<vmem>>, vector<1x1x1024xi32>,
    } else {
    }
    return
  }
  func.func @transform_0(%arg0: i32, %arg1: i32) -> (i32, i32) {
    %c0_i32 = arith.constant 0 : i32
    %c0_i32_0 = arith.constant 0 : i32
    return %arg0, %c0_i32 : i32, i32
  }
  func.func @transform_1(%arg0: i32, %arg1: i32) -> (i32, i32) {
    %c0_i32 = arith.constant 0 : i32
    %c0_i32_0 = arith.constant 0 : i32
    return %c0_i32, %arg1 : i32, i32
  }
  func.func @transform_2(%arg0: i32, %arg1: i32) -> (i32, i32) {
    %c0_i32 = arith.constant 0 : i32
    %c0_i32_0 = arith.constant 0 : i32
    return %arg0, %c0_i32 : i32, i32
  }
  func.func @transform_3(%arg0: i32, %arg1: i32) -> (i32, i32) {
    %c0_i32 = arith.constant 0 : i32
    %c0_i32_0 = arith.constant 0 : i32
    return %c0_i32, %arg1 : i32, i32
  }
  func.func @transform_4(%arg0: i32, %arg1: i32) -> (i32, i32, i32) {
    %c0_i32 = arith.constant 0 : i32
    %c0_i32_0 = arith.constant 0 : i32
    %c0_i32_1 = arith.constant 0 : i32
    return %arg0, %c0_i32, %c0_i32_0 : i32, i32, i32
  }
  func.func @transform_5(%arg0: i32, %arg1: i32) -> (i32, i32, i32) {
    %c0_i32 = arith.constant 0 : i32
    %c0_i32_0 = arith.constant 0 : i32
    %c0_i32_1 = arith.constant 0 : i32
    return %arg0, %c0_i32, %c0_i32_0 : i32, i32, i32
  }
}

</mosaic_0001>

<sc_bundles>
// kernel: kernel.4.cloned.1.call-start
scs
__scs_entry_jumppad:
0x0: {  	(pc) =	sbr.rel $0x88, $3  }
0x1: {  	(tag) =	ssettag $0x0;
	lr =	simm.s32 $0x1  }
0x2: {  	[smem:$0x3F9F] =	sst lr;
	_ =	strace $0xD0000000  }
0x3: {  	_ = 	snop  }
0x4: {  	_ = 	snop  }
0x5: {  	_ = 	snop  }
0x6: {  	_ = 	snop  }
0x7: {  	_ = 	snop  }
__scs_overlays_trampoline_lowered:
0x8: {  	[smem:$0x3FAE] =	sst s0  }
0x9: {  	[smem:$0x3FAF] =	sst s1  }
0xa: {  	[smem:$0x3FB0] =	sst s2  }
0xb: {  	[smem:$0x3FB1] =	sst s3  }
0xc: {  	[smem:$0x3FB2] =	sst s4  }
0xd: {  	[smem:$0x3FB3] =	sst s5  }
0xe: {  	[smem:$0x3FB4] =	sst s6  }
0xf: {  	[smem:$0x3FB5] =	sst s7  }
0x10: {  	[smem:$0x3FB6] =	sst s8  }
0x11: {  	[smem:$0x3FB7] =	sst s9;
	s0 =	simm.s32 @!p0 $0x0  }
0x12: {  	s1 =	sld [smem:$0x3F9D];
	s0 =	simm.s32 @p0 $0x1  }
0x13: {  	[smem:$0x3FB8] =	sst s0;
	s0 =	simm.s32 @!p1 $0x0  }
0x14: {  	s2 =	sld [smem:$0x3F9C];
	s0 =	simm.s32 @p1 $0x1  }
0x15: {  	[smem:$0x3FB9] =	sst s0;
	s0 =	simm.s32 @!p2 $0x0  }
0x16: {  	s3 =	sld [smem:$0x3FDB];
	s0 =	simm.s32 @p2 $0x1  }
0x17: {  	s4 =	simm.s32 $0x1BF5;
	[smem:$0x3FBB] =	sst s0  }
0x18: {  	s0 =	sld [smem:$0x3F9E];
	_ =	swait.ge [sflag:s4], $0x0  }
0x19: {  	s7 =	sld [smem:$0x3F9F]  }
0x1a: {  	s8 =	sadd.s32 $0xFFFFE003, lr  }
0x1b: {  	s9 =	sadd.s32 $0xFFFFFEF7, lr;
	s5 =	simm.s32 $0xFFFFFFFF;
	p2 =	slt.u32 s8, $0xFFFFF086  }
0x1c: {  	p1 =	slt.u32 s9, $0xF7A;
	s5 =	simm.s32 @!p2 $0x0  }
0x1d: {  	s5 =	simm.s32 @p1 $0x1;
	p0 =	seq.s32 s7, s2  }
0x1e: {  	s7 =	smul.u32 @!p0 $0xF7A, s2;
	p2 =	seq.s32 @!p0 s5, $0x0  }
0x1f: {  	s9 =	smul.u32 $0xF7A, s1;
	s8 =	simm.s32 @!p0 $0x1BF5;
	p2 =	por !p2, p0  }
0x20: {  	[sflag:s8] =	ssyncset.s32 @!p0 $0xFFFFF086;
	s6 =	sadd.s32 @!p0 s3, s7;
	s7 =	simm.s32 @!p0 $0x108  }
0x21: {  	s3 =	sadd.s32 s3, s9;
	s6 =	sadd.s32 @!p0 $0x88, s6;
	s7 =	simm.s32 @p2 $0x1082  }
0x22: {  	[simem:s7], [sflag:s8] =	dma.local @!p0 [hbm:s6], $0xF7A  }
0x23: {  	s9 =	sor.u32 $0xD0000000, s2;
	s6 =	simm.s32 $0x108;
	_ =	swait.ge @!p0 [sflag:s8], $0x0  }
0x24: {  	s3 =	sadd.s32 $0x88, s3;
	s6 =	simm.s32 @!p1 $0x1082;
	[sflag:s4] =	ssyncset.s32 $0xFFFFF086  }
0x25: {  	[simem:s6], [sflag:s4] =	dma.local [hbm:s3], $0xF7A  }
0x26: {  	[smem:$0x3F9F] =	sst s1;
	(tag) =	ssettag s2;
	_ =	strace s9  }
0x27: {  	s1 =	sld [smem:$0x3FAF]  }
0x28: {  	s2 =	sld [smem:$0x3FB0]  }
0x29: {  	s4 =	sld [smem:$0x3FB2]  }
0x2a: {  	p0 =	seq.s32 s5, $0x0;
	s5 =	sld [smem:$0x3FB3]  }
0x2b: {  	s6 =	sld [smem:$0x3FB4]  }
0x2c: {  	s7 =	sld [smem:$0x3FB5]  }
0x2d: {  	s3 =	simm.s32 $0x108;
	s8 =	sld [smem:$0x3FB6]  }
0x2e: {  	s3 =	simm.s32 @!p0 $0x1082;
	s9 =	sld [smem:$0x3FB7]  }
0x2f: {  	lr =	sadd.s32 s0, s3;
	s0 =	sld [smem:$0x3FAE]  }
0x30: {  	s3 =	sld [smem:$0x3FB1]  }
0x31: {  	[smem:$0x3FBA] =	sst s10  }
0x32: {  	s10 =	sld [smem:$0x3FB8];
	_ =	sdelay $0x3  }
0x33: {  	p0 =	seq.s32 s10, $0x1;
	s10 =	sld [smem:$0x3FBA];
	_ =	sdelay $0x3  }
0x34: {  	[smem:$0x3FBA] =	sst s10  }
0x35: {  	s10 =	sld [smem:$0x3FB9];
	_ =	sdelay $0x3  }
0x36: {  	p1 =	seq.s32 s10, $0x1;
	s10 =	sld [smem:$0x3FBA];
	_ =	sdelay $0x3  }
0x37: {  	[smem:$0x3FBA] =	sst s10  }
0x38: {  	s10 =	sld [smem:$0x3FBB]  }
0x39: {  	_ = 	snop;
	(pc) =	sbr.ind lr, $3  }
0x3a: {  	_ = 	snop  }
0x3b: {  	_ = 	snop  }
0x3c: {  	p2 =	seq.s32 s10, $0x1;
	s10 =	sld [smem:$0x3FBA]  }
0x3d: {  	_ =	shalt  }
0x3e: {  	_ =	shalt  }
0x3f: {  	_ =	shalt  }
0x40: {  	_ =	shalt  }
0x41: {  	_ =	shalt  }
0x42: {  	_ =	shalt  }
0x43: {  	_ =	shalt  }
0x44: {  	_ =	shalt  }
0x45: {  	_ =	shalt  }
0x46: {  	_ =	shalt  }
0x47: {  	_ =	shalt  }
0x48: {  	_ =	shalt  }
0x49: {  	_ =	shalt  }
0x4a: {  	_ =	shalt  }
0x4b: {  	_ =	shalt  }
0x4c: {  	_ =	shalt  }
0x4d: {  	_ =	shalt  }
0x4e: {  	_ =	shalt  }
0x4f: {  	_ =	shalt  }
0x50: {  	_ =	shalt  }
0x51: {  	_ =	shalt  }
0x52: {  	_ =	shalt  }
0x53: {  	_ =	shalt  }
0x54: {  	_ =	shalt  }
0x55: {  	_ =	shalt  }
0x56: {  	_ =	shalt  }
0x57: {  	_ =	shalt  }
0x58: {  	_ =	shalt  }
0x59: {  	_ =	shalt  }
0x5a: {  	_ =	shalt  }
0x5b: {  	_ =	shalt  }
0x5c: {  	_ =	shalt  }
0x5d: {  	_ =	shalt  }
0x5e: {  	_ =	shalt  }
0x5f: {  	_ =	shalt  }
0x60: {  	_ =	shalt  }
0x61: {  	_ =	shalt  }
0x62: {  	_ =	shalt  }
0x63: {  	_ =	shalt  }
0x64: {  	_ =	shalt  }
0x65: {  	_ =	shalt  }
0x66: {  	_ =	shalt  }
0x67: {  	_ =	shalt  }
0x68: {  	_ =	shalt  }
0x69: {  	_ =	shalt  }
0x6a: {  	_ =	shalt  }
0x6b: {  	_ =	shalt  }
0x6c: {  	_ =	shalt  }
0x6d: {  	_ =	shalt  }
0x6e: {  	_ =	shalt  }
0x6f: {  	_ =	shalt  }
0x70: {  	_ =	shalt  }
0x71: {  	_ =	shalt  }
0x72: {  	_ =	shalt  }
0x73: {  	_ =	shalt  }
0x74: {  	_ =	shalt  }
0x75: {  	_ =	shalt  }
0x76: {  	_ =	shalt  }
0x77: {  	_ =	shalt  }
0x78: {  	_ =	shalt  }
0x79: {  	_ =	shalt  }
0x7a: {  	_ =	shalt  }
0x7b: {  	_ =	shalt  }
0x7c: {  	_ =	shalt  }
0x7d: {  	_ =	shalt  }
0x7e: {  	_ =	shalt  }
0x7f: {  	_ =	shalt  }
0x80: {  	_ =	shalt  }
0x81: {  	_ =	shalt  }
0x82: {  	_ =	shalt  }
0x83: {  	_ =	shalt  }
0x84: {  	_ =	shalt  }
0x85: {  	_ =	shalt  }
0x86: {  	_ =	shalt  }
0x87: {  	_ =	shalt  }
.Lfunc_end0:
.L_simem_size_0:
called_computation_lowered:
.L_overlay_start_0:
0x88: {  	s2 =	sld [smem:$0x3FD9]  }
0x89: {  	s3 =	sld [smem:$0x3FFE];
	_ =	sdelay $0x1  }
0x8a: {  	s1 =	srdreg.scid  }
0x8b: {  	s0 =	sand.u32 $0x1, s1  }
0x8c: {  	s14 =	sshll.u32 s0, $0xA;
	s2 =	sadd.s32 s3, s2  }
0x8d: {  	s2 =	sadd.s32 s2, s14  }
0x8e: {  	[smem:$0x3FC6] =	sst s2  }
0x8f: {  	_ = 	snop  }
0x90: {  	s2 =	sld [smem:$0x3FD0];
	_ =	sdelay $0x2  }
0x91: {  	s15 =	simm.s32 $0xA;
	s4 =	simm.s32 $0x10  }
0x92: {  	[smem:s4], [sflag:s15] =	dma.local [hbm:s2], $0x1  }
0x93: {  	_ =	swait.eq [sflag:s15], $0x1  }
0x94: {  	s16 =	sld [smem:$0x10];
	[sflag:s15] =	ssyncset.done $0x0  }
0x95: {  	s17 =	sld [smem:$0x12];
	[sflag:s15] =	ssyncadd.s32 $0xFFFFFFFF  }
0x96: {  	s18 =	sld [smem:$0x13];
	(tm) =	ssettm $0x1  }
0x97: {  	s5 =	sld [smem:$0x3FFB];
	_ =	sdelay $0x3  }
0x98: {  	_ =	strace s5  }
0x99: {  	s5 =	sld [smem:$0x3FFC];
	_ =	sdelay $0x3  }
0x9a: {  	_ =	strace s5  }
0x9b: {  	s5 =	sld [smem:$0x3FFD];
	_ =	sdelay $0x3  }
0x9c: {  	_ =	strace s5  }
0x9d: {  	_ =	strace $0x8FFFFFFF  }
0x9e: {  	s19 =	sld [smem:$0x3FDB];
	_ =	sdelay $0x1  }
0x9f: {  	s6 =	simm.s32 $_scs_section_size  }
0xa0: {  	s7 =	simm.s32 $_size__tile_overlayer_lowered;
	s8 =	simm.s32 $_tile_overlayer_lowered  }
0xa1: {  	s22 =	simm.s32 $0x1BFF;
	s21 =	sshll.u32 s8, $0x1;
	s5 =	sadd.s32 s6, s19  }
0xa2: {  	s9 =	simm.s32 $0x0;
	s20 =	sshll.u32 s7, $0x1;
	s7 =	sadd.s32 s21, s5  }
0xa3: {  	[timem:s9], [sflag:s22] =	dma.local [hbm:s7], s20  }
0xa4: {  	_ =	swait.ge [sflag:s22], s20  }
0xa5: {  	s6 =	ssub.s32 $0x0, s20;
	[sflag:s22] =	ssyncset.done $0x0  }
0xa6: {  	[sflag:s22] =	ssyncadd.s32 s6;
	_ =	sdelay $0x1  }
0xa7: {  	s23 =	simm.s32 $0x1B8B  }
0xa8: {  	_ =	swait.ge [sflag:s23], $0x1  }
0xa9: {  	[sflag:s23] =	ssyncset.done $0x0  }
0xaa: {  	s25 =	simm.s32 $0x1B8E;
	s24 =	sld [smem:$0x3FFE];
	[sflag:s23] =	ssyncadd.s32 $0xFFFFFFFF  }
0xab: {  	s26 =	simm.s32 $execute0_lowered;
	[smem:$0x3FD2] =	sst s25  }
0xac: {  	s7 =	sshll.u32 s26, $0x1;
	_ =	strace $0x80000046;
	[dreg:$0x1] =	wrdreg $0xFFFFFFFF  }
0xad: {  	s28 =	simm.s32 $_size_execute0_lowered;
	s5 =	sadd.s32 s5, s7;
	[dreg:$0x0] =	wrdreg $0x0  }
0xae: {  	s7 =	sshll.u32 s28, $0x1;
	[dreg:$0x2] =	wrdreg s5  }
0xaf: {  	[dreg:$0x3] =	wrdreg s7  }
0xb0: {  	[dreg:$0x4] =	wrdreg $0xC0  }
0xb1: {  	_ =	task [dreg:s9], $0x5FFFF  }
0xb2: {  	[dreg:$0x1] =	wrdreg $0xFFFFFFFF  }
0xb3: {  	[dreg:$0x0] =	wrdreg $0x60  }
0xb4: {  	[dreg:$0x2] =	wrdreg s24  }
0xb5: {  	[dreg:$0x3] =	wrdreg s18  }
0xb6: {  	[dreg:$0x4] =	wrdreg s17  }
0xb7: {  	[dreg:$0x5] =	wrdreg s16  }
0xb8: {  	[dreg:$0x6] =	wrdreg $0x88000  }
0xb9: {  	[dreg:$0x7] =	wrdreg $0x9  }
0xba: {  	_ =	task.clear_ibuf [dreg:s9], $0x8FFFF;
	_ =	strace $0x90000046  }
0xbb: {  	s29 =	simm.s32 $0x9;
	_ =	strace $0x80000048  }
0xbc: {  	_ =	swait.ge [sflag:s29], $0x1  }
0xbd: {  	[sflag:s29] =	ssyncadd.s32 $0xFFFFFFFF  }
0xbe: {  	_ =	strace $0x90000048  }
0xbf: {  	_ =	sfence  }
0xc0: {  	s30 =	sld [smem:$0x0];
	_ =	sdelay $0x2  }
0xc1: {  	s31 =	sshll.u32 s1, $0xD;
	s1 =	sshrl.u32 s1, $0x2  }
0xc2: {  	s3 =	sand.u32 $0x4000, s31;
	s1 =	sadd.s32 s1, s30  }
0xc3: {  	s0 =	sor.u32 s3, s0;
	s1 =	sshll.u32 s1, $0x11  }
0xc4: {  	s0 =	sor.u32 s1, s0  }
0xc5: {  	s0 =	sadd.s32 $0x8F2B, s0  }
0xc6: {  	[sflag:s0] =	ssyncadd.remote.s32 $0x1  }
0xc7: {  	_ =	sfence.sel $0xFFFF  }
0xc8: {  	[dreg:$0x0] =	wrdreg $0xFFFFFFFF;
	(pc) =	sbr.abs _section_cstart, $3  }
0xc9: {  	[dreg:$0x1] =	wrdreg $0xFFFFFFFF  }
0xca: {  	_ =	task.clear_ibuf [dreg:s9], $0x2FFFF;
	_ =	strace $0x9FFFFFFF  }
0xcb: {  	(tm) =	ssettm $0x7FFFFFFF  }
tec
execute0_lowered:
.L_overlay_start_1:
0x0: {  	(tag) =	ssettag $0x1  }
0x1: {  	s0 =	rddreg [dreg:$0x0]  }
0x2: {  	s2 =	rddreg [dreg:$0x1]  }
0x3: {  	s9 =	rddreg [dreg:$0x2]  }
0x4: {  	s5 =	rddreg [dreg:$0x3]  }
0x5: {  	s1 =	rddreg [dreg:$0x4];
	s3 =	simm.s32 $0x0  }
0x6: {  	s14 =	stileid.u32;
	s6 =	srdreg.scid;
	s15 =	simm.s32 $0x300  }
0x7: {  	s16 =	simm.s32 $0xB00;
	s17 =	simm.s32 $0x1300;
	s18 =	simm.s32 $0x1B00  }
0x8: {  	s19 =	simm.s32 $0x2300;
	s20 =	simm.s32 $0x2B00;
	s21 =	simm.s32 $0x3300  }
0x9: {  	s22 =	simm.s32 $0x3B00;
	s28 =	simm.s32 $0x6300;
	s29 =	simm.s32 $0x6B00  }
0xa: {  	s30 =	simm.s32 $0x7300;
	s31 =	simm.s32 $0x7B00;
	[smem:$0x7FF] =	sst s3  }
0xb: {  	s4 =	sadd.s32 $0x600, s0;
	s10 =	sshll.u32 s14, $0x6;
	s11 =	sand.u32 $0x1, s6  }
0xc: {  	s7 =	sshll.u32 s14, $0x1;
	s8 =	sshll.u32 s14, $0x4;
	s24 =	sshll.u32 s14, $0x9  }
0xd: {  	s14 =	simm.s32 $0x2;
	_ =	strace $0x80000047;
	s12 =	sadd.s32 s10, s0  }
0xe: {  	s6 =	ssub.s32 $0x2, s11;
	s7 =	sor.u32 s11, s7;
	s0 =	sadd.s32 s8, s0  }
0xf: {  	s8 =	sadd.s32 s24, s1;
	s26 =	sadd.s32 s9, s10;
	p0 =	seq.s32 s11, $0x0  }
0x10: {  	s24 =	simm.s32 $0x4B00;
	s11 =	simm.s32 $0x8300;
	s13 =	sshrl.u32 s6, $0x1  }
0x11: {  	s23 =	sshll.u32 s7, $0xD;
	s7 =	sshll.u32 s7, $0x5;
	s25 =	sadd.s32 $0x40600, s12  }
0x12: {  	[dreg:$0x8] =	wrdreg s26;
	s0 =	sadd.s32 $0x40A00, s0;
	s26 =	simm.s32 $0x5B00  }
.Ltmp0:
0x13: {  	s13 =	ssub.s32 s6, s13;
	s5 =	sadd.s32 s5, s23;
	(pc) =	sbr.rel .LBB2_1-.Ltmp0, $4  }
0x14: {  	s6 =	sadd.s32 s2, s7;
	s2 =	sadd.s32 s2, s10;
	[dreg:$0x7] =	wrdreg s25  }
0x15: {  	v2 =	vlaneseq.u32;
	vm0 =	vmmov $0xffff;
	[dreg:$0x9] =	wrdreg s0;
	s23 =	simm.s32 $0x4300;
	s25 =	simm.s32 $0x5300  }
0x16: {  	v3 =	vimm.f32 $0.0e+00;
	v4 =	vimm.f32 $1.000000000e+00;
	v1 =	vshrl.u32 v2, $0x3;
	s0 =	simm.s32 $0x1;
	s10 =	simm.s32 $0x80;
	s7 =	sadd.s32 $0x1000, s5  }
0x17: {  	v0 =	vand.u32 $0x7, v2;
	v2 =	vor.u32 $0x8, v2;
	v1 =	vmul.u32 $0x8, v1;
	[dreg:$0x6] =	wrdreg s2;
	s13 =	smax.u32 s13, $0x1;
	s2 =	simm.s32 $0x8380  }
.LBB2_3:
0x18: {  	[tilespmem:$0x8380] =	vst v3  }
0x19: {  	[tilespmem:$0x8390] =	vst v3  }
0x1a: {  	[tilespmem:$0x83A0] =	vst v3  }
0x1b: {  	[tilespmem:$0x83B0] =	vst v3  }
0x1c: {  	[tilespmem:$0x83C0] =	vst v3  }
0x1d: {  	[tilespmem:$0x83D0] =	vst v3  }
0x1e: {  	[tilespmem:$0x83E0] =	vst v3  }
0x1f: {  	[tilespmem:$0x83F0] =	vst v3  }
0x20: {  	[tilespmem:$0x8400] =	vst v3  }
0x21: {  	[tilespmem:$0x8410] =	vst v3  }
0x22: {  	[tilespmem:$0x8420] =	vst v3  }
0x23: {  	[tilespmem:$0x8430] =	vst v3  }
0x24: {  	[tilespmem:$0x8440] =	vst v3  }
0x25: {  	[tilespmem:$0x8450] =	vst v3  }
0x26: {  	[tilespmem:$0x8460] =	vst v3  }
0x27: {  	[tilespmem:$0x8470] =	vst v3  }
0x28: {  	[tilespmem:$0x8480] =	vst v3  }
0x29: {  	[tilespmem:$0x8490] =	vst v3  }
0x2a: {  	[tilespmem:$0x84A0] =	vst v3  }
0x2b: {  	[tilespmem:$0x84B0] =	vst v3  }
0x2c: {  	[tilespmem:$0x84C0] =	vst v3  }
0x2d: {  	[tilespmem:$0x84D0] =	vst v3  }
0x2e: {  	[tilespmem:$0x84E0] =	vst v3  }
0x2f: {  	[tilespmem:$0x84F0] =	vst v3  }
0x30: {  	[tilespmem:$0x8500] =	vst v3  }
0x31: {  	[tilespmem:$0x8510] =	vst v3  }
0x32: {  	[tilespmem:$0x8520] =	vst v3  }
0x33: {  	[tilespmem:$0x8530] =	vst v3  }
0x34: {  	[tilespmem:$0x8540] =	vst v3  }
0x35: {  	[tilespmem:$0x8550] =	vst v3  }
0x36: {  	[tilespmem:$0x8560] =	vst v3  }
0x37: {  	[tilespmem:$0x8570] =	vst v3  }
0x38: {  	[spmem:s8] =	stream.linear.scatter [tilespmem:s2], [sflag:$0x2], $0x200, $0x38;
	[tilespmem:$0x8A00] =	vst v63  }
0x39: {  	_ =	swait.ge [sflag:s14], $0x200  }
0x3a: {  	[sflag:s14] =	ssyncset.done $0x0  }
0x3b: {  	[sflag:s14] =	ssyncadd.s32 $0xFFFFFE00  }
0x3c: {  	[bflag:$0x0] =	sbarrier.arrive $0xFFFF  }
0x3d: {  	[tilespmem:$0x8300] =	vst v4  }
0x3e: {  	[tilespmem:$0x8310] =	vst v4  }
0x3f: {  	[tilespmem:$0x8320] =	vst v4  }
0x40: {  	[tilespmem:$0x8330] =	vst v4  }
0x41: {  	[tilespmem:$0x8340] =	vst v4  }
0x42: {  	[tilespmem:$0x8350] =	vst v4  }
0x43: {  	[tilespmem:$0x8360] =	vst v4  }
0x44: {  	s9 =	simm.s32 $0x100;
	[tilespmem:$0x8370] =	vst v4;
	s12 =	rddreg [dreg:$0x6]  }
0x45: {  	[tilespmem:s9], [sflag:$0x2] =	stream.linear.gather [hbm4b:s12+s3], $0x200, $0x38;
	[tilespmem:$0x8A00] =	vst v63  }
0x46: {  	_ =	swait.ge [sflag:s14], $0x200  }
0x47: {  	[sflag:s14] =	ssyncset.done $0x0  }
0x48: {  	[sflag:s14] =	ssyncadd.s32 $0xFFFFFE00  }
0x49: {  	[spmem:s1] =	stream.indirect.scatter.add.f32 [tilespmem:s11], [sflag:$0x2], $0x1, s9, s10, $0xb8;
	[tilespmem:$0x8A00] =	vst v63  }
0x4a: {  	_ =	swait.ge [sflag:s14], $0x80  }
0x4b: {  	[sflag:s14] =	ssyncset.done $0x0  }
0x4c: {  	s9 =	simm.s32 $0x180;
	[sflag:s14] =	ssyncadd.s32 $0xFFFFFF80  }
0x4d: {  	[spmem:s1] =	stream.indirect.scatter.add.f32 [tilespmem:s11], [sflag:$0x2], $0x1, s9, s10, $0xb8;
	[tilespmem:$0x8A00] =	vst v63  }
0x4e: {  	_ =	swait.ge [sflag:s14], $0x80  }
0x4f: {  	[sflag:s14] =	ssyncset.done $0x0  }
0x50: {  	s9 =	simm.s32 $0x200;
	[sflag:s14] =	ssyncadd.s32 $0xFFFFFF80  }
0x51: {  	[spmem:s1] =	stream.indirect.scatter.add.f32 [tilespmem:s11], [sflag:$0x2], $0x1, s9, s10, $0xb8;
	[tilespmem:$0x8A00] =	vst v63  }
0x52: {  	_ =	swait.ge [sflag:s14], $0x80  }
0x53: {  	[sflag:s14] =	ssyncset.done $0x0  }
0x54: {  	s9 =	simm.s32 $0x280;
	[sflag:s14] =	ssyncadd.s32 $0xFFFFFF80  }
0x55: {  	[spmem:s1] =	stream.indirect.scatter.add.f32 [tilespmem:s11], [sflag:$0x2], $0x1, s9, s10, $0xb8;
	[tilespmem:$0x8A00] =	vst v63  }
0x56: {  	_ =	swait.ge [sflag:s14], $0x80  }
0x57: {  	[sflag:s14] =	ssyncset.done $0x0  }
0x58: {  	[sflag:s14] =	ssyncadd.s32 $0xFFFFFF80  }
0x59: {  	[bflag:$0x0] =	sbarrier.arrive $0xFFFF  }
0x5a: {  	[tilespmem:s2], [sflag:$0x2] =	stream.linear.gather [spmem:s8], $0x200, $0x38;
	[tilespmem:$0x8A00] =	vst v63  }
0x5b: {  	_ =	swait.ge [sflag:s14], $0x200  }
0x5c: {  	[sflag:s14] =	ssyncset.done $0x0  }
0x5d: {  	s9 =	rddreg [dreg:$0x7];
	[sflag:s14] =	ssyncadd.s32 $0xFFFFFE00  }
0x5e: {  	[hbm4b:s9+s3] =	stream.linear.scatter [tilespmem:s2], [sflag:$0x2], $0x200, $0x38;
	[tilespmem:$0x8A00] =	vst v63  }
0x5f: {  	_ =	swait.ge [sflag:s14], $0x200  }
0x60: {  	[sflag:s14] =	ssyncset.done $0x0  }
0x61: {  	s9 =	simm.s32 $0x8580;
	s12 =	rddreg [dreg:$0x8];
	[sflag:s14] =	ssyncadd.s32 $0xFFFFFE00  }
0x62: {  	[tilespmem:s9], [sflag:$0x2] =	stream.linear.gather [hbm4b:s12+s3], $0x200, $0x38;
	[tilespmem:$0x8A00] =	vst v63  }
0x63: {  	_ =	swait.ge [sflag:s14], $0x200  }
0x64: {  	[sflag:s14] =	ssyncset.done $0x0  }
0x65: {  	[sflag:s14] =	ssyncadd.s32 $0xFFFFFE00  }
0x66: {  	v5 =	vld [tilespmem:$0x8580];
	_ =	sdelay $0x1  }
0x67: {  	v6 =	vld [tilespmem:$0x8590];
	_ =	sdelay $0x1  }
0x68: {  	v7 =	vld [tilespmem:$0x85A0]  }
0x69: {  	v5 =	vadd.f32 $0.0e+00, v5  }
0x6a: {  	v8 =	vld [tilespmem:$0x85B0]  }
0x6b: {  	v5 =	vadd.f32 v6, v5  }
0x6c: {  	v6 =	vld [tilespmem:$0x85C0]  }
0x6d: {  	v5 =	vadd.f32 v7, v5  }
0x6e: {  	v7 =	vld [tilespmem:$0x85D0]  }
0x6f: {  	v5 =	vadd.f32 v8, v5  }
0x70: {  	v55 =	vld [tilespmem:$0x85E0]  }
0x71: {  	v5 =	vadd.f32 v6, v5  }
0x72: {  	v6 =	vld [tilespmem:$0x85F0]  }
0x73: {  	v5 =	vadd.f32 v7, v5  }
0x74: {  	v7 =	vld [tilespmem:$0x8600]  }
0x75: {  	v5 =	vadd.f32 v55, v5  }
0x76: {  	v56 =	vld [tilespmem:$0x8610]  }
0x77: {  	v5 =	vadd.f32 v6, v5  }
0x78: {  	v6 =	vld [tilespmem:$0x8620]  }
0x79: {  	v5 =	vadd.f32 v7, v5  }
0x7a: {  	v7 =	vld [tilespmem:$0x8630]  }
0x7b: {  	v5 =	vadd.f32 v56, v5  }
0x7c: {  	v57 =	vld [tilespmem:$0x8640]  }
0x7d: {  	v5 =	vadd.f32 v6, v5  }
0x7e: {  	v6 =	vld [tilespmem:$0x8650]  }
0x7f: {  	v5 =	vadd.f32 v7, v5  }
0x80: {  	v7 =	vld [tilespmem:$0x8660]  }
0x81: {  	v5 =	vadd.f32 v57, v5  }
0x82: {  	v58 =	vld [tilespmem:$0x8670]  }
0x83: {  	v5 =	vadd.f32 v6, v5  }
0x84: {  	v6 =	vld [tilespmem:$0x8680]  }
0x85: {  	v5 =	vadd.f32 v7, v5  }
0x86: {  	v7 =	vld [tilespmem:$0x8690]  }
0x87: {  	v5 =	vadd.f32 v58, v5  }
0x88: {  	v59 =	vld [tilespmem:$0x86A0]  }
0x89: {  	v5 =	vadd.f32 v6, v5  }
0x8a: {  	v6 =	vld [tilespmem:$0x86B0]  }
0x8b: {  	v5 =	vadd.f32 v7, v5  }
0x8c: {  	v7 =	vld [tilespmem:$0x86C0]  }
0x8d: {  	v5 =	vadd.f32 v59, v5  }
0x8e: {  	v60 =	vld [tilespmem:$0x86D0]  }
0x8f: {  	v5 =	vadd.f32 v6, v5  }
0x90: {  	v6 =	vld [tilespmem:$0x86E0]  }
0x91: {  	v5 =	vadd.f32 v7, v5  }
0x92: {  	v7 =	vld [tilespmem:$0x86F0]  }
0x93: {  	v5 =	vadd.f32 v60, v5  }
0x94: {  	v61 =	vld [tilespmem:$0x8700]  }
0x95: {  	v5 =	vadd.f32 v6, v5  }
0x96: {  	v6 =	vld [tilespmem:$0x8710]  }
0x97: {  	v5 =	vadd.f32 v7, v5  }
0x98: {  	v7 =	vld [tilespmem:$0x8720]  }
0x99: {  	v5 =	vadd.f32 v61, v5  }
0x9a: {  	v62 =	vld [tilespmem:$0x8730]  }
0x9b: {  	v5 =	vadd.f32 v6, v5  }
0x9c: {  	v6 =	vld [tilespmem:$0x8740]  }
0x9d: {  	v5 =	vadd.f32 v7, v5  }
0x9e: {  	v7 =	vld [tilespmem:$0x8750]  }
0x9f: {  	v5 =	vadd.f32 v62, v5  }
0xa0: {  	v63 =	vld [tilespmem:$0x8760]  }
0xa1: {  	v5 =	vadd.f32 v6, v5  }
0xa2: {  	v6 =	vld [tilespmem:$0x8770]  }
0xa3: {  	v5 =	vadd.f32 v7, v5;
	_ =	sdelay $0x1  }
0xa4: {  	v5 =	vadd.f32 v63, v5;
	_ =	sdelay $0x1  }
0xa5: {  	v5 =	vadd.f32 v6, v5;
	_ =	sdelay $0x1  }
0xa6: {  	s9 =	simm.s32 $0x8780;
	s12 =	rddreg [dreg:$0x9];
	[tilespmem:$0x8780] =	vst v5  }
0xa7: {  	[hbm4b:s12+s3] =	stream.linear.scatter [tilespmem:s9], [sflag:$0x2], $0x80, $0x38;
	[tilespmem:$0x8A00] =	vst v63  }
0xa8: {  	_ =	swait.ge [sflag:s14], $0x80  }
0xa9: {  	[sflag:s14] =	ssyncset.done $0x0  }
0xaa: {  	[sflag:s14] =	ssyncadd.s32 $0xFFFFFF80  }
.LBB2_4:
0xab: {  	s13 =	sadd.s32 $0xFFFFFFFF, s13  }
0xac: {  	p1 =	sne.s32 s13, $0x0  }
.Ltmp1:
0xad: {  	_ = 	snop;
	(pc) =	sbr.rel @!p1 .LBB2_5-.Ltmp1, $1  }
0xae: {  	_ =	sdelay $0x3  }
.LBB2_1:
0xaf: {  	[tilespmem:s3], [sflag:$0x2] =	stream.linear.gather [hbm4b:s6+s3], $0x100, $0x38;
	[tilespmem:$0x8A00] =	vst v63  }
0xb0: {  	_ =	swait.ge [sflag:s14], $0x100  }
0xb1: {  	[sflag:s14] =	ssyncset.done $0x0  }
0xb2: {  	[sflag:s14] =	ssyncadd.s32 $0xFFFFFF00  }
0xb3: {  	v5 =	vld [tilespmem:$0x0];
	_ =	sdelay $0x4  }
0xb4: {  	v6 =	vshll.u32 v5, $0x1  }
0xb5: {  	v5 =	vand.u32 $0x7, v5;
	v6 =	vand.u32 $0xFFFFFFF0, v6  }
0xb6: {  	v5 =	vor.u32 v5, v6  }
0xb7: {  	v6 =	vperm.xlane v5, v0;
	_ =	sdelay $0x1  }
0xb8: {  	v5 =	vperm.xlane v5, v2;
	v6 =	vadd.s32 v1, v6;
	_ =	sdelay $0x1  }
0xb9: {  	v5 =	vadd.s32 v1, v5;
	_ =	sdelay $0x2  }
0xba: {  	[tilespmem:s15], [sflag:$0x1] =	stream.indirect_vreg.gather [hbm4b:s4+s3], $0x80, v6, vm0, $0xb8;
	[tilespmem:$0x8A00] =	vst v63  }
0xbb: {  	_ = 	snop  }
0xbc: {  	[tilespmem:s16], [sflag:$0x1] =	stream.indirect_vreg.gather [hbm4b:s4+s3], $0x80, v5, vm0, $0xb8;
	[tilespmem:$0x8A00] =	vst v63  }
0xbd: {  	v5 =	vld [tilespmem:$0x10];
	_ =	sdelay $0x4  }
0xbe: {  	v6 =	vshll.u32 v5, $0x1  }
0xbf: {  	v5 =	vand.u32 $0x7, v5;
	v6 =	vand.u32 $0xFFFFFFF0, v6  }
0xc0: {  	v5 =	vor.u32 v5, v6  }
0xc1: {  	v6 =	vperm.xlane v5, v0;
	_ =	sdelay $0x1  }
0xc2: {  	v5 =	vperm.xlane v5, v2;
	v6 =	vadd.s32 v1, v6;
	_ =	sdelay $0x1  }
0xc3: {  	v5 =	vadd.s32 v1, v5;
	_ =	sdelay $0x2  }
0xc4: {  	[tilespmem:s17], [sflag:$0x1] =	stream.indirect_vreg.gather [hbm4b:s4+s3], $0x80, v6, vm0, $0xb8;
	[tilespmem:$0x8A00] =	vst v63  }
0xc5: {  	_ = 	snop  }
0xc6: {  	[tilespmem:s18], [sflag:$0x1] =	stream.indirect_vreg.gather [hbm4b:s4+s3], $0x80, v5, vm0, $0xb8;
	[tilespmem:$0x8A00] =	vst v63  }
0xc7: {  	v5 =	vld [tilespmem:$0x20];
	_ =	sdelay $0x4  }
0xc8: {  	v6 =	vshll.u32 v5, $0x1  }
0xc9: {  	v5 =	vand.u32 $0x7, v5;
	v6 =	vand.u32 $0xFFFFFFF0, v6  }
0xca: {  	v5 =	vor.u32 v5, v6  }
0xcb: {  	v6 =	vperm.xlane v5, v0;
	_ =	sdelay $0x1  }
0xcc: {  	v5 =	vperm.xlane v5, v2;
	v6 =	vadd.s32 v1, v6;
	_ =	sdelay $0x1  }
0xcd: {  	v5 =	vadd.s32 v1, v5;
	_ =	sdelay $0x2  }
0xce: {  	[tilespmem:s19], [sflag:$0x1] =	stream.indirect_vreg.gather [hbm4b:s4+s3], $0x80, v6, vm0, $0xb8;
	[tilespmem:$0x8A00] =	vst v63  }
0xcf: {  	_ = 	snop  }
0xd0: {  	[tilespmem:s20], [sflag:$0x1] =	stream.indirect_vreg.gather [hbm4b:s4+s3], $0x80, v5, vm0, $0xb8;
	[tilespmem:$0x8A00] =	vst v63  }
0xd1: {  	v5 =	vld [tilespmem:$0x30];
	_ =	sdelay $0x4  }
0xd2: {  	v6 =	vshll.u32 v5, $0x1  }
0xd3: {  	v5 =	vand.u32 $0x7, v5;
	v6 =	vand.u32 $0xFFFFFFF0, v6  }
0xd4: {  	v5 =	vor.u32 v5, v6  }
0xd5: {  	v6 =	vperm.xlane v5, v0;
	_ =	sdelay $0x1  }
0xd6: {  	v5 =	vperm.xlane v5, v2;
	v6 =	vadd.s32 v1, v6;
	_ =	sdelay $0x1  }
0xd7: {  	v5 =	vadd.s32 v1, v5;
	_ =	sdelay $0x2  }
0xd8: {  	[tilespmem:s21], [sflag:$0x1] =	stream.indirect_vreg.gather [hbm4b:s4+s3], $0x80, v6, vm0, $0xb8;
	[tilespmem:$0x8A00] =	vst v63  }
0xd9: {  	_ = 	snop  }
0xda: {  	[tilespmem:s22], [sflag:$0x1] =	stream.indirect_vreg.gather [hbm4b:s4+s3], $0x80, v5, vm0, $0xb8;
	[tilespmem:$0x8A00] =	vst v63  }
0xdb: {  	v5 =	vld [tilespmem:$0x40];
	_ =	sdelay $0x4  }
0xdc: {  	v6 =	vshll.u32 v5, $0x1  }
0xdd: {  	v5 =	vand.u32 $0x7, v5;
	v6 =	vand.u32 $0xFFFFFFF0, v6  }
0xde: {  	v5 =	vor.u32 v5, v6  }
0xdf: {  	v6 =	vperm.xlane v5, v0;
	_ =	sdelay $0x1  }
0xe0: {  	v5 =	vperm.xlane v5, v2;
	v6 =	vadd.s32 v1, v6;
	_ =	sdelay $0x1  }
0xe1: {  	v5 =	vadd.s32 v1, v5;
	_ =	sdelay $0x2  }
0xe2: {  	[tilespmem:s23], [sflag:$0x1] =	stream.indirect_vreg.gather [hbm4b:s4+s3], $0x80, v6, vm0, $0xb8;
	[tilespmem:$0x8A00] =	vst v63  }
0xe3: {  	_ = 	snop  }
0xe4: {  	[tilespmem:s24], [sflag:$0x1] =	stream.indirect_vreg.gather [hbm4b:s4+s3], $0x80, v5, vm0, $0xb8;
	[tilespmem:$0x8A00] =	vst v63  }
0xe5: {  	v5 =	vld [tilespmem:$0x50];
	_ =	sdelay $0x4  }
0xe6: {  	v6 =	vshll.u32 v5, $0x1  }
0xe7: {  	v5 =	vand.u32 $0x7, v5;
	v6 =	vand.u32 $0xFFFFFFF0, v6  }
0xe8: {  	v5 =	vor.u32 v5, v6  }
0xe9: {  	v6 =	vperm.xlane v5, v0;
	_ =	sdelay $0x1  }
0xea: {  	v5 =	vperm.xlane v5, v2;
	v6 =	vadd.s32 v1, v6;
	_ =	sdelay $0x1  }
0xeb: {  	v5 =	vadd.s32 v1, v5;
	_ =	sdelay $0x2  }
0xec: {  	[tilespmem:s25], [sflag:$0x1] =	stream.indirect_vreg.gather [hbm4b:s4+s3], $0x80, v6, vm0, $0xb8;
	[tilespmem:$0x8A00] =	vst v63  }
0xed: {  	_ = 	snop  }
0xee: {  	[tilespmem:s26], [sflag:$0x1] =	stream.indirect_vreg.gather [hbm4b:s4+s3], $0x80, v5, vm0, $0xb8;
	[tilespmem:$0x8A00] =	vst v63  }
0xef: {  	v5 =	vld [tilespmem:$0x60];
	_ =	sdelay $0x4  }
0xf0: {  	v6 =	vshll.u32 v5, $0x1  }
0xf1: {  	v5 =	vand.u32 $0x7, v5;
	v6 =	vand.u32 $0xFFFFFFF0, v6  }
0xf2: {  	v5 =	vor.u32 v5, v6  }
0xf3: {  	v6 =	vperm.xlane v5, v0;
	_ =	sdelay $0x1  }
0xf4: {  	v5 =	vperm.xlane v5, v2;
	v6 =	vadd.s32 v1, v6;
	_ =	sdelay $0x1  }
0xf5: {  	v5 =	vadd.s32 v1, v5;
	_ =	sdelay $0x2  }
0xf6: {  	[tilespmem:s28], [sflag:$0x1] =	stream.indirect_vreg.gather [hbm4b:s4+s3], $0x80, v6, vm0, $0xb8;
	[tilespmem:$0x8A00] =	vst v63  }
0xf7: {  	_ = 	snop  }
0xf8: {  	[tilespmem:s29], [sflag:$0x1] =	stream.indirect_vreg.gather [hbm4b:s4+s3], $0x80, v5, vm0, $0xb8;
	[tilespmem:$0x8A00] =	vst v63  }
0xf9: {  	v5 =	vld [tilespmem:$0x70];
	_ =	sdelay $0x4  }
0xfa: {  	v6 =	vshll.u32 v5, $0x1  }
0xfb: {  	v5 =	vand.u32 $0x7, v5;
	v6 =	vand.u32 $0xFFFFFFF0, v6  }
0xfc: {  	v5 =	vor.u32 v5, v6  }
0xfd: {  	v6 =	vperm.xlane v5, v0;
	_ =	sdelay $0x1  }
0xfe: {  	v5 =	vperm.xlane v5, v2;
	v6 =	vadd.s32 v1, v6;
	_ =	sdelay $0x1  }
0xff: {  	v5 =	vadd.s32 v1, v5;
	_ =	sdelay $0x2  }
0x100: {  	[tilespmem:s30], [sflag:$0x1] =	stream.indirect_vreg.gather [hbm4b:s4+s3], $0x80, v6, vm0, $0xb8;
	[tilespmem:$0x8A00] =	vst v63  }
0x101: {  	_ = 	snop  }
0x102: {  	[tilespmem:s31], [sflag:$0x1] =	stream.indirect_vreg.gather [hbm4b:s4+s3], $0x80, v5, vm0, $0xb8;
	[tilespmem:$0x8A00] =	vst v63  }
0x103: {  	_ =	swait.ge [sflag:s0], $0x8000  }
0x104: {  	[sflag:s0] =	ssyncset.done $0x0  }
0x105: {  	[sflag:s0] =	ssyncadd.s32 $0xFFFF8000  }
0x106: {  	[hbm4b:s5+s3] =	stream.linear.scatter [tilespmem:s15], [sflag:$0x2], $0x8000, $0x38;
	[tilespmem:$0x8A00] =	vst v63  }
0x107: {  	_ =	swait.ge [sflag:s14], $0x8000  }
0x108: {  	[sflag:s14] =	ssyncset.done $0x0  }
0x109: {  	[sflag:s14] =	ssyncadd.s32 $0xFFFF8000  }
0x10a: {  	v5 =	vld [tilespmem:$0x80];
	_ =	sdelay $0x4  }
0x10b: {  	v6 =	vshll.u32 v5, $0x1  }
0x10c: {  	v5 =	vand.u32 $0x7, v5;
	v6 =	vand.u32 $0xFFFFFFF0, v6  }
0x10d: {  	v5 =	vor.u32 v5, v6  }
0x10e: {  	v6 =	vperm.xlane v5, v0;
	_ =	sdelay $0x1  }
0x10f: {  	v5 =	vperm.xlane v5, v2;
	v6 =	vadd.s32 v1, v6;
	_ =	sdelay $0x1  }
0x110: {  	v5 =	vadd.s32 v1, v5;
	_ =	sdelay $0x2  }
0x111: {  	[tilespmem:s15], [sflag:$0x1] =	stream.indirect_vreg.gather [hbm4b:s4+s3], $0x80, v6, vm0, $0xb8;
	[tilespmem:$0x8A00] =	vst v63  }
0x112: {  	_ = 	snop  }
0x113: {  	[tilespmem:s16], [sflag:$0x1] =	stream.indirect_vreg.gather [hbm4b:s4+s3], $0x80, v5, vm0, $0xb8;
	[tilespmem:$0x8A00] =	vst v63  }
0x114: {  	v5 =	vld [tilespmem:$0x90];
	_ =	sdelay $0x4  }
0x115: {  	v6 =	vshll.u32 v5, $0x1  }
0x116: {  	v5 =	vand.u32 $0x7, v5;
	v6 =	vand.u32 $0xFFFFFFF0, v6  }
0x117: {  	v5 =	vor.u32 v5, v6  }
0x118: {  	v6 =	vperm.xlane v5, v0;
	_ =	sdelay $0x1  }
0x119: {  	v5 =	vperm.xlane v5, v2;
	v6 =	vadd.s32 v1, v6;
	_ =	sdelay $0x1  }
0x11a: {  	v5 =	vadd.s32 v1, v5;
	_ =	sdelay $0x2  }
0x11b: {  	[tilespmem:s17], [sflag:$0x1] =	stream.indirect_vreg.gather [hbm4b:s4+s3], $0x80, v6, vm0, $0xb8;
	[tilespmem:$0x8A00] =	vst v63  }
0x11c: {  	_ = 	snop  }
0x11d: {  	[tilespmem:s18], [sflag:$0x1] =	stream.indirect_vreg.gather [hbm4b:s4+s3], $0x80, v5, vm0, $0xb8;
	[tilespmem:$0x8A00] =	vst v63  }
0x11e: {  	v5 =	vld [tilespmem:$0xA0];
	_ =	sdelay $0x4  }
0x11f: {  	v6 =	vshll.u32 v5, $0x1  }
0x120: {  	v5 =	vand.u32 $0x7, v5;
	v6 =	vand.u32 $0xFFFFFFF0, v6  }
0x121: {  	v5 =	vor.u32 v5, v6  }
0x122: {  	v6 =	vperm.xlane v5, v0;
	_ =	sdelay $0x1  }
0x123: {  	v5 =	vperm.xlane v5, v2;
	v6 =	vadd.s32 v1, v6;
	_ =	sdelay $0x1  }
0x124: {  	v5 =	vadd.s32 v1, v5;
	_ =	sdelay $0x2  }
0x125: {  	[tilespmem:s19], [sflag:$0x1] =	stream.indirect_vreg.gather [hbm4b:s4+s3], $0x80, v6, vm0, $0xb8;
	[tilespmem:$0x8A00] =	vst v63  }
0x126: {  	_ = 	snop  }
0x127: {  	[tilespmem:s20], [sflag:$0x1] =	stream.indirect_vreg.gather [hbm4b:s4+s3], $0x80, v5, vm0, $0xb8;
	[tilespmem:$0x8A00] =	vst v63  }
0x128: {  	v5 =	vld [tilespmem:$0xB0];
	_ =	sdelay $0x4  }
0x129: {  	v6 =	vshll.u32 v5, $0x1  }
0x12a: {  	v5 =	vand.u32 $0x7, v5;
	v6 =	vand.u32 $0xFFFFFFF0, v6  }
0x12b: {  	v5 =	vor.u32 v5, v6  }
0x12c: {  	v6 =	vperm.xlane v5, v0;
	_ =	sdelay $0x1  }
0x12d: {  	v5 =	vperm.xlane v5, v2;
	v6 =	vadd.s32 v1, v6;
	_ =	sdelay $0x1  }
0x12e: {  	v5 =	vadd.s32 v1, v5;
	_ =	sdelay $0x2  }
0x12f: {  	[tilespmem:s21], [sflag:$0x1] =	stream.indirect_vreg.gather [hbm4b:s4+s3], $0x80, v6, vm0, $0xb8;
	[tilespmem:$0x8A00] =	vst v63  }
0x130: {  	_ = 	snop  }
0x131: {  	[tilespmem:s22], [sflag:$0x1] =	stream.indirect_vreg.gather [hbm4b:s4+s3], $0x80, v5, vm0, $0xb8;
	[tilespmem:$0x8A00] =	vst v63  }
0x132: {  	v5 =	vld [tilespmem:$0xC0];
	_ =	sdelay $0x4  }
0x133: {  	v6 =	vshll.u32 v5, $0x1  }
0x134: {  	v5 =	vand.u32 $0x7, v5;
	v6 =	vand.u32 $0xFFFFFFF0, v6  }
0x135: {  	v5 =	vor.u32 v5, v6  }
0x136: {  	v6 =	vperm.xlane v5, v0;
	_ =	sdelay $0x1  }
0x137: {  	v5 =	vperm.xlane v5, v2;
	v6 =	vadd.s32 v1, v6;
	_ =	sdelay $0x1  }
0x138: {  	v5 =	vadd.s32 v1, v5;
	_ =	sdelay $0x2  }
0x139: {  	[tilespmem:s23], [sflag:$0x1] =	stream.indirect_vreg.gather [hbm4b:s4+s3], $0x80, v6, vm0, $0xb8;
	[tilespmem:$0x8A00] =	vst v63  }
0x13a: {  	_ = 	snop  }
0x13b: {  	[tilespmem:s24], [sflag:$0x1] =	stream.indirect_vreg.gather [hbm4b:s4+s3], $0x80, v5, vm0, $0xb8;
	[tilespmem:$0x8A00] =	vst v63  }
0x13c: {  	v5 =	vld [tilespmem:$0xD0];
	_ =	sdelay $0x4  }
0x13d: {  	v6 =	vshll.u32 v5, $0x1  }
0x13e: {  	v5 =	vand.u32 $0x7, v5;
	v6 =	vand.u32 $0xFFFFFFF0, v6  }
0x13f: {  	v5 =	vor.u32 v5, v6  }
0x140: {  	v6 =	vperm.xlane v5, v0;
	_ =	sdelay $0x1  }
0x141: {  	v5 =	vperm.xlane v5, v2;
	v6 =	vadd.s32 v1, v6;
	_ =	sdelay $0x1  }
0x142: {  	v5 =	vadd.s32 v1, v5;
	_ =	sdelay $0x2  }
0x143: {  	[tilespmem:s25], [sflag:$0x1] =	stream.indirect_vreg.gather [hbm4b:s4+s3], $0x80, v6, vm0, $0xb8;
	[tilespmem:$0x8A00] =	vst v63  }
0x144: {  	_ = 	snop  }
0x145: {  	[tilespmem:s26], [sflag:$0x1] =	stream.indirect_vreg.gather [hbm4b:s4+s3], $0x80, v5, vm0, $0xb8;
	[tilespmem:$0x8A00] =	vst v63  }
0x146: {  	v5 =	vld [tilespmem:$0xE0];
	_ =	sdelay $0x4  }
0x147: {  	v6 =	vshll.u32 v5, $0x1  }
0x148: {  	v5 =	vand.u32 $0x7, v5;
	v6 =	vand.u32 $0xFFFFFFF0, v6  }
0x149: {  	v5 =	vor.u32 v5, v6  }
0x14a: {  	v6 =	vperm.xlane v5, v0;
	_ =	sdelay $0x1  }
0x14b: {  	v5 =	vperm.xlane v5, v2;
	v6 =	vadd.s32 v1, v6;
	_ =	sdelay $0x1  }
0x14c: {  	v5 =	vadd.s32 v1, v5;
	_ =	sdelay $0x2  }
0x14d: {  	[tilespmem:s28], [sflag:$0x1] =	stream.indirect_vreg.gather [hbm4b:s4+s3], $0x80, v6, vm0, $0xb8;
	[tilespmem:$0x8A00] =	vst v63  }
0x14e: {  	_ = 	snop  }
0x14f: {  	[tilespmem:s29], [sflag:$0x1] =	stream.indirect_vreg.gather [hbm4b:s4+s3], $0x80, v5, vm0, $0xb8;
	[tilespmem:$0x8A00] =	vst v63  }
0x150: {  	v5 =	vld [tilespmem:$0xF0];
	_ =	sdelay $0x4  }
0x151: {  	v6 =	vshll.u32 v5, $0x1  }
0x152: {  	v5 =	vand.u32 $0x7, v5;
	v6 =	vand.u32 $0xFFFFFFF0, v6  }
0x153: {  	v5 =	vor.u32 v5, v6  }
0x154: {  	v6 =	vperm.xlane v5, v0;
	_ =	sdelay $0x1  }
0x155: {  	v5 =	vperm.xlane v5, v2;
	v6 =	vadd.s32 v1, v6;
	_ =	sdelay $0x1  }
0x156: {  	v5 =	vadd.s32 v1, v5;
	_ =	sdelay $0x2  }
0x157: {  	[tilespmem:s30], [sflag:$0x1] =	stream.indirect_vreg.gather [hbm4b:s4+s3], $0x80, v6, vm0, $0xb8;
	[tilespmem:$0x8A00] =	vst v63  }
0x158: {  	_ = 	snop  }
0x159: {  	[tilespmem:s31], [sflag:$0x1] =	stream.indirect_vreg.gather [hbm4b:s4+s3], $0x80, v5, vm0, $0xb8;
	[tilespmem:$0x8A00] =	vst v63  }
0x15a: {  	_ =	swait.ge [sflag:s0], $0x8000  }
0x15b: {  	[sflag:s0] =	ssyncset.done $0x0  }
.Ltmp2:
0x15c: {  	[sflag:s0] =	ssyncadd.s32 $0xFFFF8000;
	(pc) =	sbr.rel @p0 .LBB2_3-.Ltmp2, $4  }
0x15d: {  	[hbm4b:s7+s3] =	stream.linear.scatter [tilespmem:s15], [sflag:$0x2], $0x8000, $0x38;
	[tilespmem:$0x8A00] =	vst v63  }
0x15e: {  	_ =	swait.ge [sflag:s14], $0x8000  }
0x15f: {  	[sflag:s14] =	ssyncset.done $0x0  }
0x160: {  	[sflag:s14] =	ssyncadd.s32 $0xFFFF8000  }
.Ltmp3:
0x161: {  	(pc) =	sbr.rel .LBB2_4-.Ltmp3, $3  }
0x162: {  	_ = 	snop  }
0x163: {  	[bflag:$0x0] =	sbarrier.arrive $0xFFFF  }
0x164: {  	[bflag:$0x0] =	sbarrier.arrive $0xFFFF;
	_ =	sdelay $0x1  }
.LBB2_5:
0x165: {  	_ =	sfence.sel $0x180000  }
0x166: {  	[bflag:$0x0] =	sbarrier.arrive $0xFFFF  }
0x167: {  	_ =	strace $0x90000047  }
0x168: {  	s0 =	stileid.u32;
	[bflag:$0x2] =	sbarrier.arrive $0xFFFF  }
0x169: {  	p0 =	sne.s32 s0, $0x0;
	s0 =	rddreg [dreg:$0x5]  }
0x16a: {  	s0 =	sadd.s32 @!p0 $0x100000, s0  }
0x16b: {  	[sflag:s0] =	ssyncadd.tile.s32 @!p0 $0x1;
	_ =	shalt  }
.Lfunc_end2:
_tile_overlayer_lowered:
.L_overlay_start_2:
0x16c: {  	(tag) =	ssettag $0x2  }
0x16d: {  	s0 =	rddreg [dreg:$0x0];
	s2 =	stileid.u32  }
0x16e: {  	s1 =	rddreg [dreg:$0x1];
	p0 =	sne.s32 s2, $0x0  }
0x16f: {  	s3 =	rddreg [dreg:$0x2];
	[bflag:$0x3] =	sbarrier.arrive $0xFFFF;
	s2 =	simm.s32 @!p0 $0x1C02  }
0x170: {  	[timem:s3], [sflag:s2] =	dma.local @!p0 [hbm:s0], s1  }
0x171: {  	s0 =	simm.s32 @!p0 $0x2  }
0x172: {  	_ =	swait.ge @!p0 [sflag:s0], s1  }
0x173: {  	s1 =	ssub.s32 @!p0 $0x0, s1;
	[sflag:s0] =	ssyncset.done @!p0 $0x0  }
0x174: {  	[sflag:s0] =	ssyncadd.s32 @!p0 s1  }
0x175: {  	[bflag:$0x3] =	sbarrier.arrive $0xFFFF  }
0x176: {  	_ =	shalt  }

</sc_bundles>
